<compile_context>
chip_gen: v7x
topology: tpu7x:2x2x1
jax: 0.10.2.dev20260603
libtpu: 0.0.44.dev20260713+nightly
codegen_flags: <defaults>
</compile_context>

<pallas_src>
import functools

import jax
import jax.numpy as jnp
from jax import lax
from jax.experimental import pallas as pl
from jax.experimental.pallas import tpu as pltpu
from jax.experimental.pallas import tpu_sc as plsc

B_TOK = 16384
DM = 768
NE = 64
KN = 8
NSEL = NE * KN


def _gelu_exact(a):
    return 0.5 * a * (1.0 + lax.erf(a * (2.0 ** -0.5)))



def _gate_body(x_ref, gw_ref, s_ref):
    s_ref[...] = jnp.dot(x_ref[...], gw_ref[...],
                         preferred_element_type=jnp.float32)


def _gating(x2, gw):
    blk = 2048
    return pl.pallas_call(
        _gate_body,
        grid=(B_TOK // blk,),
        in_specs=[
            pl.BlockSpec((blk, 2 * DM), lambda i: (i, 0)),
            pl.BlockSpec((2 * DM, NE), lambda i: (0, 0)),
        ],
        out_specs=pl.BlockSpec((blk, NE), lambda i: (i, 0)),
        out_shape=jax.ShapeDtypeStruct((B_TOK, NE), jnp.float32),
    )(x2, gw)



def _topk_body(s_ref, vals_ref, idx_ref):
    s = s_ref[...]
    rowid = lax.broadcasted_iota(jnp.int32, (B_TOK, NE), 0)
    for j in range(KN):
        m = jnp.max(s, axis=0, keepdims=True)
        cand = jnp.where(s == m, rowid, jnp.int32(2**31 - 1))
        am = jnp.min(cand, axis=0, keepdims=True)
        vals_ref[j:j + 1, :] = m
        idx_ref[j:j + 1, :] = am
        s = jnp.where(rowid == am, -jnp.inf, s)


def _topk(scores):
    return pl.pallas_call(
        _topk_body,
        out_shape=(
            jax.ShapeDtypeStruct((KN, NE), jnp.float32),
            jax.ShapeDtypeStruct((KN, NE), jnp.int32),
        ),
    )(scores)



def _sc_gather(xp, flat_idx):
    info = plsc.get_sparse_core_info()
    nw = info.num_cores * info.num_subcores
    bpw = NSEL // nw
    mesh = plsc.VectorSubcoreMesh(core_axis_name="c", subcore_axis_name="s")

    @functools.partial(
        pl.kernel,
        out_type=jax.ShapeDtypeStruct((NSEL, 2 * DM), jnp.float32),
        mesh=mesh,
        scratch_types=[
            pltpu.VMEM((bpw,), jnp.int32),
            pltpu.VMEM((bpw, 2 * DM), jnp.float32),
            pltpu.SemaphoreType.DMA,
        ],
    )
    def gk(x_hbm, idx_hbm, out_hbm, idx_v, rows_v, sem):
        wid = lax.axis_index("s") * info.num_cores + lax.axis_index("c")
        base = wid * bpw
        pltpu.sync_copy(idx_hbm.at[pl.ds(base, bpw)], idx_v)
        pltpu.async_copy(x_hbm.at[idx_v], rows_v, sem).wait()
        pltpu.sync_copy(rows_v, out_hbm.at[pl.ds(base, bpw)])

    return gk(xp, flat_idx)



def _expert_body(xg_ref, w_ref, tv_ref, sr_ref, si_ref, yw_ref):
    xg = xg_ref[...]
    xr = jnp.dot(xg, sr_ref[...], preferred_element_type=jnp.float32)
    xi = jnp.dot(xg, si_ref[...], preferred_element_type=jnp.float32)
    w2 = w_ref[0]
    a = jnp.dot(xr, w2, preferred_element_type=jnp.float32)
    b = jnp.dot(xi, w2, preferred_element_type=jnp.float32)
    colpar = lax.broadcasted_iota(jnp.int32, (KN, 2 * DM), 1) % 2
    c = jnp.where(colpar == 0,
                  -jnp.roll(b, -1, axis=1),
                  jnp.roll(b, 1, axis=1))
    yw_ref[...] = (a + c) * tv_ref[...]


def _expert_matmuls(xg, w2, tvals, sr, si):
    return pl.pallas_call(
        _expert_body,
        grid=(NE,),
        in_specs=[
            pl.BlockSpec((KN, 2 * DM), lambda e: (e, 0)),
            pl.BlockSpec((1, DM, 2 * DM), lambda e: (e, 0, 0)),
            pl.BlockSpec((KN, 1), lambda e: (e, 0)),
            pl.BlockSpec((2 * DM, DM), lambda e: (0, 0)),
            pl.BlockSpec((2 * DM, DM), lambda e: (0, 0)),
        ],
        out_specs=pl.BlockSpec((KN, 2 * DM), lambda e: (e, 0)),
        out_shape=jax.ShapeDtypeStruct((NSEL, 2 * DM), jnp.float32),
    )(xg, w2, tvals, sr, si)



def _combine_body(yw_ref, fia_ref, fib_ref, bias2_ref, delta_ref):
    eq = (fia_ref[...] == fib_ref[...]).astype(jnp.float32)
    counts = jnp.sum(eq, axis=1, keepdims=True)
    summed = jnp.dot(eq, yw_ref[...],
                     preferred_element_type=jnp.float32)
    avg = summed / counts
    b2 = bias2_ref[...]
    fill_row = _gelu_exact(b2)
    delta = (_gelu_exact(avg + b2) - fill_row) / counts
    delta_ref[...] = delta.astype(jnp.bfloat16)


def _combine(yw, fia, fib, bias2):
    return pl.pallas_call(
        _combine_body,
        out_shape=jax.ShapeDtypeStruct((NSEL, 2 * DM), jnp.bfloat16),
    )(yw, fia, fib, bias2)



def _fill_body(bias2_ref, fib_ref, delta_ref, res_ref, cnt_ref, *, blk):
    i = pl.program_id(0)
    tok = lax.broadcasted_iota(jnp.int32, (blk, NSEL), 0) + i * blk
    oh = (tok == fib_ref[...]).astype(jnp.float32)
    cnt_ref[...] = jnp.sum(oh, axis=1, keepdims=True)
    fill_row = _gelu_exact(bias2_ref[...])
    res_ref[...] = fill_row + jnp.dot(oh.astype(jnp.bfloat16), delta_ref[...],
                                      preferred_element_type=jnp.float32)


def _fill(bias2, fib, delta):
    blk = 2048
    return pl.pallas_call(
        functools.partial(_fill_body, blk=blk),
        grid=(B_TOK // blk,),
        in_specs=[
            pl.BlockSpec((1, 2 * DM), lambda i: (0, 0)),
            pl.BlockSpec((1, NSEL), lambda i: (0, 0)),
            pl.BlockSpec((NSEL, 2 * DM), lambda i: (0, 0)),
        ],
        out_specs=(
            pl.BlockSpec((blk, 2 * DM), lambda i: (i, 0)),
            pl.BlockSpec((blk, 1), lambda i: (i, 0)),
        ),
        out_shape=(
            jax.ShapeDtypeStruct((B_TOK, 2 * DM), jnp.float32),
            jax.ShapeDtypeStruct((B_TOK, 1), jnp.float32),
        ),
    )(bias2, fib, delta)



def kernel(x, gate_weights, experts_weight, act_bias):
    x2 = x.reshape(B_TOK, 2 * DM)
    scores = _gating(x2, gate_weights)
    vals_t, idx_t = _topk(scores)

    flat_idx = idx_t.T.reshape(NSEL)

    xg = _sc_gather(x2, flat_idx)

    w2 = experts_weight.reshape(NE, DM, 2 * DM)

    av = jnp.arange(2 * DM, dtype=jnp.int32)[:, None]
    jv = jnp.arange(DM, dtype=jnp.int32)[None, :]
    sr = (av == 2 * jv).astype(jnp.float32)
    si = (av == 2 * jv + 1).astype(jnp.float32)

    vals_em = vals_t.T.reshape(NSEL, 1)
    yw = _expert_matmuls(xg, w2, vals_em, sr, si)

    fia = flat_idx.reshape(NSEL, 1)
    fib = flat_idx.reshape(1, NSEL)
    bias2 = jnp.repeat(act_bias, 2).reshape(1, 2 * DM)
    delta = _combine(yw, fia, fib, bias2)

    res_p, cnt = _fill(bias2, fib, delta)

    res = res_p.reshape(B_TOK, DM, 2)
    counts_buf = cnt.reshape(B_TOK, 1, 1)
    return res, idx_t, vals_t, counts_buf

# --- scband reference (transcript-rebuilt; emitter-appended) ---
"""Pipeline reference for scband-expert-choice-mo-ematcher-33947421507659 (READ-ONLY COPY).

The authoritative reference and input builder live on the scoring server;
editing this copy changes nothing except your own understanding.
"""

import jax, jax.numpy as jnp
import numpy as np

B_T = 16384
D = 768
E = 64
K_NODES = 8


def setup_inputs(seed: int = 0) -> dict:
    key = jax.random.key(seed)
    k1, k2, k3, k4 = jax.random.split(key, 4)
    x = jax.random.normal(k1, (B_T, D, 2), dtype=jnp.float32)
    # gate_weights: orthogonal init with gain 0.1 approximated by scaled gaussian
    gate_weights = jax.random.normal(k2, (D * 2, E), dtype=jnp.float32) * (0.1 / np.sqrt(D * 2))
    # ComplexKaimingInitializer: non-negative magnitudes, uniform phases, fan_in = D
    mag = jnp.abs(jax.random.normal(k3, (E, D, D), dtype=jnp.float32)) * (1.0 / np.sqrt(D))
    phase = jax.random.uniform(k4, (E, D, D), dtype=jnp.float32, minval=0.0, maxval=2.0 * np.pi)
    experts_weight = jnp.stack([mag * jnp.cos(phase), mag * jnp.sin(phase)], axis=-1)  # [E, D, D, 2]
    act_bias = jnp.zeros((D,), dtype=jnp.float32)
    return {"x": x, "gate_weights": gate_weights, "experts_weight": experts_weight, "act_bias": act_bias}


def reference(x, gate_weights, experts_weight, act_bias):
    b_t, d, _ = x.shape
    e = gate_weights.shape[1]
    k_nodes = K_NODES
    # gating: scores over all tokens
    x_gate = x.reshape(b_t, d * 2)
    scores = jnp.matmul(x_gate, gate_weights)  # [B_T, E]
    # torch.topk(scores, k, dim=0) -> [k, E]; emulate via top_k on scores.T
    vals, idx = jax.lax.top_k(scores.T, k_nodes)  # [E, k]
    topk_scores = vals.T  # [k, E]
    topk_indices = idx.T  # [k, E]
    flat_indices = idx.reshape(-1)  # topk_indices.T.reshape(-1) == idx.reshape(-1)
    # gather chosen tokens per expert
    x_batched = jnp.take(x, flat_indices, axis=0).reshape(e, k_nodes, d, 2)
    xr = x_batched[..., 0]
    xi = x_batched[..., 1]
    wr = experts_weight[..., 0]  # [E, D, D]
    wi = experts_weight[..., 1]
    yr = jnp.matmul(xr, wr) - jnp.matmul(xi, wi)
    yi = jnp.matmul(xr, wi) + jnp.matmul(xi, wr)
    y_all = jnp.stack([yr, yi], axis=-1)  # [E, k, D, 2]
    weights = vals.reshape(e, k_nodes, 1, 1)  # topk_scores.T.reshape(E,k,1,1)
    y_weighted = (y_all * weights).reshape(e * k_nodes, d, 2)
    # scatter-add merge back to token positions
    out_buf = jnp.zeros((b_t, d, 2), dtype=jnp.float32).at[flat_indices].add(y_weighted)
    counts_buf = jnp.zeros((b_t, 1, 1), dtype=jnp.float32).at[flat_indices].add(
        jnp.ones((e * k_nodes, 1, 1), dtype=jnp.float32))
    avg = out_buf / jnp.clip(counts_buf, 1.0, None)
    # ComplexGELU (exact erf gelu, matching torch F.gelu default)
    real = jax.nn.gelu(avg[..., 0] + act_bias, approximate=False)
    imag = jax.nn.gelu(avg[..., 1] + act_bias, approximate=False)
    res = jnp.stack([real, imag], axis=-1)
    return res, topk_indices, topk_scores, counts_buf

if __name__ == "__main__":
    import jax
    _d = setup_inputs()
    print(jax.jit(kernel)(*tuple(_d.values())))

</pallas_src>

<mosaic_0001>
#map = affine_map<(d0, d1) -> (0, 0)>
#map1 = affine_map<(d0, d1) -> (0)>
module attributes {stable_mosaic.version = 14 : i64} {
  func.func @gk(%arg0: i32, %arg1: i32, %arg2: memref<16384x1536xf32, #tpu.memory_space<hbm>>, %arg3: memref<512xi32, #tpu.memory_space<hbm>>, %arg4: memref<512x1536xf32, #tpu.memory_space<hbm>>, %arg5: memref<16xi32, #tpu.memory_space<vmem>>, %arg6: memref<16x1536xf32, #tpu.memory_space<vmem>>, %arg7: memref<!tpu.dma_semaphore, #tpu.memory_space<semaphore_mem>>) attributes {dimension_semantics = [#tpu.dimension_semantics<core_parallel>, #tpu.dimension_semantics<subcore_parallel>], iteration_bounds = array<i64: 2, 16>, scalar_prefetch = 0 : i64, scratch_operands = 3 : i64, tpu.core_type = #tpu.core_type<sc_vector_subcore>, window_params = [{transform_indices = #map}, {transform_indices = #map1}, {transform_indices = #map}]} {
    %mul3A = arith.constant 2 : i32
    %mul3A_0 = arith.muli %arg1, %mul3A : i32
    %add3A = arith.addi %mul3A_0, %arg0 : i32
    %mul3A_1 = arith.constant 16 : i32
    %mul3A_2 = arith.muli %add3A, %mul3A_1 : i32
    "tpu.region"() ({
      %run_scoped3A = tpu.sem_alloc : memref<!tpu.dma_semaphore, #tpu.memory_space<semaphore_mem>>
      %dma_start3A_7 = tpu.memref_slice %arg3[%mul3A_2] : memref<512xi32, #tpu.memory_space<hbm>> -> memref<16xi32, #tpu.memory_space<hbm>>
      %dma_start3A_8 = tpu.memref_slice %arg3[%mul3A_2] : memref<512xi32, #tpu.memory_space<hbm>> -> memref<16xi32, #tpu.memory_space<hbm>>
      tpu.enqueue_dma source(%dma_start3A_8 : memref<16xi32, #tpu.memory_space<hbm>>) target(%arg5 : memref<16xi32, #tpu.memory_space<vmem>>) target_semaphore(%run_scoped3A : memref<!tpu.dma_semaphore, #tpu.memory_space<semaphore_mem>>)
      %dma_wait3A_9 = tpu.memref_slice %arg3[%mul3A_2] : memref<512xi32, #tpu.memory_space<hbm>> -> memref<16xi32, #tpu.memory_space<hbm>>
      %dma_wait3A_10 = tpu.memref_slice %arg3[%mul3A_2] : memref<512xi32, #tpu.memory_space<hbm>> -> memref<16xi32, #tpu.memory_space<hbm>>
      tpu.wait_dma2 semaphore(%run_scoped3A : memref<!tpu.dma_semaphore, #tpu.memory_space<semaphore_mem>>) src(%dma_wait3A_10 : memref<16xi32, #tpu.memory_space<hbm>>) dst(%arg5 : memref<16xi32, #tpu.memory_space<vmem>>)
      tpu.yield
    }) : () -> ()
    %dma_start3A = arith.constant 0 : i32
    %dma_start3A_3 = arith.constant 0 : i32
    %dma_start3A_4 = tpu.memref_slice %arg2[%dma_start3A, %dma_start3A_3] : memref<16384x1536xf32, #tpu.memory_space<hbm>> -> memref<16384x1536xf32, #tpu.memory_space<hbm>>
    tpu.enqueue_indirect_dma source(%dma_start3A_4 : memref<16384x1536xf32, #tpu.memory_space<hbm>>) target(%arg6 : memref<16x1536xf32, #tpu.memory_space<vmem>>) offsets(%arg5 : memref<16xi32, #tpu.memory_space<vmem>>) semaphore(%arg7 : memref<!tpu.dma_semaphore, #tpu.memory_space<semaphore_mem>>)
    %dma_wait3A = arith.constant 0 : i32
    %dma_wait3A_5 = arith.constant 0 : i32
    %dma_wait3A_6 = tpu.memref_slice %arg2[%dma_wait3A, %dma_wait3A_5] : memref<16384x1536xf32, #tpu.memory_space<hbm>> -> memref<16384x1536xf32, #tpu.memory_space<hbm>>
    tpu.wait_indirect_dma semaphore(%arg7 : memref<!tpu.dma_semaphore, #tpu.memory_space<semaphore_mem>>) src(%dma_wait3A_6 : memref<16384x1536xf32, #tpu.memory_space<hbm>>) dst(%arg6 : memref<16x1536xf32, #tpu.memory_space<vmem>>)
    "tpu.region"() ({
      %run_scoped3A = tpu.sem_alloc : memref<!tpu.dma_semaphore, #tpu.memory_space<semaphore_mem>>
      %dma_start3A_7 = arith.constant 0 : i32
      %dma_start3A_8 = tpu.memref_slice %arg4[%mul3A_2, %dma_start3A_7] : memref<512x1536xf32, #tpu.memory_space<hbm>> -> memref<16x1536xf32, #tpu.memory_space<hbm>>
      %dma_start3A_9 = arith.constant 0 : i32
      %dma_start3A_10 = tpu.memref_slice %arg4[%mul3A_2, %dma_start3A_9] : memref<512x1536xf32, #tpu.memory_space<hbm>> -> memref<16x1536xf32, #tpu.memory_space<hbm>>
      tpu.enqueue_dma source(%arg6 : memref<16x1536xf32, #tpu.memory_space<vmem>>) target(%dma_start3A_10 : memref<16x1536xf32, #tpu.memory_space<hbm>>) target_semaphore(%run_scoped3A : memref<!tpu.dma_semaphore, #tpu.memory_space<semaphore_mem>>)
      %dma_wait3A_11 = arith.constant 0 : i32
      %dma_wait3A_12 = tpu.memref_slice %arg4[%mul3A_2, %dma_wait3A_11] : memref<512x1536xf32, #tpu.memory_space<hbm>> -> memref<16x1536xf32, #tpu.memory_space<hbm>>
      %dma_wait3A_13 = arith.constant 0 : i32
      %dma_wait3A_14 = tpu.memref_slice %arg4[%mul3A_2, %dma_wait3A_13] : memref<512x1536xf32, #tpu.memory_space<hbm>> -> memref<16x1536xf32, #tpu.memory_space<hbm>>
      tpu.wait_dma2 semaphore(%run_scoped3A : memref<!tpu.dma_semaphore, #tpu.memory_space<semaphore_mem>>) src(%arg6 : memref<16x1536xf32, #tpu.memory_space<vmem>>) dst(%dma_wait3A_14 : memref<16x1536xf32, #tpu.memory_space<hbm>>)
      tpu.yield
    }) : () -> ()
    return
  }
}

module attributes {stable_mosaic.version = 14 : i64} {
  func.func @_gate_body(%arg0: i32, %arg1: memref<2048x1536xf32, #tpu.memory_space<vmem>>, %arg2: memref<1536x64xf32, #tpu.memory_space<vmem>>, %arg3: memref<2048x64xf32, #tpu.memory_space<vmem>>) attributes {dimension_semantics = [#tpu.dimension_semantics<arbitrary>], iteration_bounds = array<i64: 8>, scalar_prefetch = 0 : i64, scratch_operands = 0 : i64, tpu.core_type = #tpu.core_type<tc>, window_params = [{transform_indices = @transform_0, window_bounds = array<i64: 2048, 1536>}, {pipeline_mode = #tpu.pipeline_mode<synchronous>, transform_indices = @transform_1, window_bounds = array<i64: 1536, 64>}, {transform_indices = @transform_2, window_bounds = array<i64: 2048, 64>}]} {
    %get3A = arith.constant 0 : index
    %get3A_0 = arith.constant 0 : index
    %get3A_1 = vector.load %arg1[%get3A, %get3A_0] : memref<2048x1536xf32, #tpu.memory_space<vmem>>, vector<2048x1536xf32>
    %get3A_2 = arith.constant 0 : index
    %get3A_3 = arith.constant 0 : index
    %get3A_4 = vector.load %arg2[%get3A_2, %get3A_3] : memref<1536x64xf32, #tpu.memory_space<vmem>>, vector<1536x64xf32>
    %dot_general3A = arith.constant dense<0.000000e+00> : vector<2048x64xf32>
    %dot_general3A_5 = tpu.matmul %get3A_1, %get3A_4, %dot_general3A {dimension_numbers = #tpu.dot_dimension_numbers<[1], [0], [0], [1], [0, 0, 1, 1], [], []>, transpose_lhs_hint = false} : vector<2048x1536xf32>, vector<1536x64xf32>, vector<2048x64xf32> -> vector<2048x64xf32>
    %swap3A = arith.constant 0 : index
    %swap3A_6 = arith.constant 0 : index
    %swap3A_7 = vector.load %arg3[%swap3A, %swap3A_6] : memref<2048x64xf32, #tpu.memory_space<vmem>>, vector<2048x64xf32>
    tpu.vector_store %arg3[%swap3A, %swap3A_6], %dot_general3A_5 {strides = array<i32>} : memref<2048x64xf32, #tpu.memory_space<vmem>>, vector<2048x64xf32>,
    return
  }
  func.func @transform_0(%arg0: i32) -> (i32, i32) {
    %c0_i32 = arith.constant 0 : i32
    %c0_i32_0 = arith.constant 0 : i32
    return %arg0, %c0_i32 : i32, i32
  }
  func.func @transform_1(%arg0: i32) -> (i32, i32) {
    %c0_i32 = arith.constant 0 : i32
    %c0_i32_0 = arith.constant 0 : i32
    %c0_i32_1 = arith.constant 0 : i32
    return %c0_i32, %c0_i32_0 : i32, i32
  }
  func.func @transform_2(%arg0: i32) -> (i32, i32) {
    %c0_i32 = arith.constant 0 : i32
    %c0_i32_0 = arith.constant 0 : i32
    return %arg0, %c0_i32 : i32, i32
  }
}

module attributes {stable_mosaic.version = 14 : i64} {
  func.func @_topk_body(%arg0: memref<16384x64xf32, #tpu.memory_space<vmem>>, %arg1: memref<8x64xf32, #tpu.memory_space<vmem>>, %arg2: memref<8x64xi32, #tpu.memory_space<vmem>>) attributes {dimension_semantics = [], scalar_prefetch = 0 : i64, scratch_operands = 0 : i64, tpu.core_type = #tpu.core_type<tc>} {
    %get3A = arith.constant 0 : index
    %get3A_0 = arith.constant 0 : index
    %get3A_1 = vector.load %arg0[%get3A, %get3A_0] : memref<16384x64xf32, #tpu.memory_space<vmem>>, vector<16384x64xf32>
    %iota3A = tpu.iota {dimensions = array<i32: 0>} : vector<16384x64xi32>
    %reduce_max3A = arith.constant dense<0xFF800000> : vector<64xf32>
    %reduce_max3A_2 = vector.multi_reduction <maximumf>, %get3A_1, %reduce_max3A [0] : vector<16384x64xf32> to vector<64xf32>
    %broadcast_in_dim3A = vector.shape_cast %reduce_max3A_2 : vector<64xf32> to vector<1x64xf32>
    %eq3A = vector.broadcast %broadcast_in_dim3A : vector<1x64xf32> to vector<16384x64xf32>
    %eq3A_3 = arith.cmpf oeq, %get3A_1, %eq3A : vector<16384x64xf32>
    %jit3A = arith.constant 2147483647 : i32
    %broadcast_in_dim3A_4 = vector.broadcast %jit3A : i32 to vector<16384x64xi32>
    %select_n3A = arith.select %eq3A_3, %iota3A, %broadcast_in_dim3A_4 : vector<16384x64xi1>, vector<16384x64xi32>
    %reduce_min3A = arith.constant dense<2147483647> : vector<64xi32>
    %reduce_min3A_5 = vector.multi_reduction <minsi>, %select_n3A, %reduce_min3A [0] : vector<16384x64xi32> to vector<64xi32>
    %broadcast_in_dim3A_6 = vector.shape_cast %reduce_min3A_5 : vector<64xi32> to vector<1x64xi32>
    %swap3A = arith.constant 0 : index
    %swap3A_7 = arith.constant 0 : index
    %swap3A_8 = vector.load %arg1[%swap3A, %swap3A_7] : memref<8x64xf32, #tpu.memory_space<vmem>>, vector<1x64xf32>
    tpu.vector_store %arg1[%swap3A, %swap3A_7], %broadcast_in_dim3A {strides = array<i32>} : memref<8x64xf32, #tpu.memory_space<vmem>>, vector<1x64xf32>,
    %swap3A_9 = arith.constant 0 : index
    %swap3A_10 = arith.constant 0 : index
    %swap3A_11 = vector.load %arg2[%swap3A_9, %swap3A_10] : memref<8x64xi32, #tpu.memory_space<vmem>>, vector<1x64xi32>
    tpu.vector_store %arg2[%swap3A_9, %swap3A_10], %broadcast_in_dim3A_6 {strides = array<i32>} : memref<8x64xi32, #tpu.memory_space<vmem>>, vector<1x64xi32>,
    %eq3A_12 = vector.broadcast %broadcast_in_dim3A_6 : vector<1x64xi32> to vector<16384x64xi32>
    %eq3A_13 = arith.cmpi eq, %iota3A, %eq3A_12 : vector<16384x64xi32>
    %jit3A_14 = arith.constant 0xFF800000 : f32
    %broadcast_in_dim3A_15 = vector.broadcast %jit3A_14 : f32 to vector<16384x64xf32>
    %select_n3A_16 = arith.select %eq3A_13, %broadcast_in_dim3A_15, %get3A_1 : vector<16384x64xi1>, vector<16384x64xf32>
    %reduce_max3A_17 = arith.constant dense<0xFF800000> : vector<64xf32>
    %reduce_max3A_18 = vector.multi_reduction <maximumf>, %select_n3A_16, %reduce_max3A_17 [0] : vector<16384x64xf32> to vector<64xf32>
    %broadcast_in_dim3A_19 = vector.shape_cast %reduce_max3A_18 : vector<64xf32> to vector<1x64xf32>
    %eq3A_20 = vector.broadcast %broadcast_in_dim3A_19 : vector<1x64xf32> to vector<16384x64xf32>
    %eq3A_21 = arith.cmpf oeq, %select_n3A_16, %eq3A_20 : vector<16384x64xf32>
    %jit3A_22 = arith.constant 2147483647 : i32
    %broadcast_in_dim3A_23 = vector.broadcast %jit3A_22 : i32 to vector<16384x64xi32>
    %select_n3A_24 = arith.select %eq3A_21, %iota3A, %broadcast_in_dim3A_23 : vector<16384x64xi1>, vector<16384x64xi32>
    %reduce_min3A_25 = arith.constant dense<2147483647> : vector<64xi32>
    %reduce_min3A_26 = vector.multi_reduction <minsi>, %select_n3A_24, %reduce_min3A_25 [0] : vector<16384x64xi32> to vector<64xi32>
    %broadcast_in_dim3A_27 = vector.shape_cast %reduce_min3A_26 : vector<64xi32> to vector<1x64xi32>
    %swap3A_28 = arith.constant 1 : index
    %swap3A_29 = arith.constant 0 : index
    %swap3A_30 = vector.load %arg1[%swap3A_28, %swap3A_29] : memref<8x64xf32, #tpu.memory_space<vmem>>, vector<1x64xf32>
    tpu.vector_store %arg1[%swap3A_28, %swap3A_29], %broadcast_in_dim3A_19 {strides = array<i32>} : memref<8x64xf32, #tpu.memory_space<vmem>>, vector<1x64xf32>,
    %swap3A_31 = arith.constant 1 : index
    %swap3A_32 = arith.constant 0 : index
    %swap3A_33 = vector.load %arg2[%swap3A_31, %swap3A_32] : memref<8x64xi32, #tpu.memory_space<vmem>>, vector<1x64xi32>
    tpu.vector_store %arg2[%swap3A_31, %swap3A_32], %broadcast_in_dim3A_27 {strides = array<i32>} : memref<8x64xi32, #tpu.memory_space<vmem>>, vector<1x64xi32>,
    %eq3A_34 = vector.broadcast %broadcast_in_dim3A_27 : vector<1x64xi32> to vector<16384x64xi32>
    %eq3A_35 = arith.cmpi eq, %iota3A, %eq3A_34 : vector<16384x64xi32>
    %jit3A_36 = arith.constant 0xFF800000 : f32
    %broadcast_in_dim3A_37 = vector.broadcast %jit3A_36 : f32 to vector<16384x64xf32>
    %select_n3A_38 = arith.select %eq3A_35, %broadcast_in_dim3A_37, %select_n3A_16 : vector<16384x64xi1>, vector<16384x64xf32>
    %reduce_max3A_39 = arith.constant dense<0xFF800000> : vector<64xf32>
    %reduce_max3A_40 = vector.multi_reduction <maximumf>, %select_n3A_38, %reduce_max3A_39 [0] : vector<16384x64xf32> to vector<64xf32>
    %broadcast_in_dim3A_41 = vector.shape_cast %reduce_max3A_40 : vector<64xf32> to vector<1x64xf32>
    %eq3A_42 = vector.broadcast %broadcast_in_dim3A_41 : vector<1x64xf32> to vector<16384x64xf32>
    %eq3A_43 = arith.cmpf oeq, %select_n3A_38, %eq3A_42 : vector<16384x64xf32>
    %jit3A_44 = arith.constant 2147483647 : i32
    %broadcast_in_dim3A_45 = vector.broadcast %jit3A_44 : i32 to vector<16384x64xi32>
    %select_n3A_46 = arith.select %eq3A_43, %iota3A, %broadcast_in_dim3A_45 : vector<16384x64xi1>, vector<16384x64xi32>
    %reduce_min3A_47 = arith.constant dense<2147483647> : vector<64xi32>
    %reduce_min3A_48 = vector.multi_reduction <minsi>, %select_n3A_46, %reduce_min3A_47 [0] : vector<16384x64xi32> to vector<64xi32>
    %broadcast_in_dim3A_49 = vector.shape_cast %reduce_min3A_48 : vector<64xi32> to vector<1x64xi32>
    %swap3A_50 = arith.constant 2 : index
    %swap3A_51 = arith.constant 0 : index
    %swap3A_52 = vector.load %arg1[%swap3A_50, %swap3A_51] : memref<8x64xf32, #tpu.memory_space<vmem>>, vector<1x64xf32>
    tpu.vector_store %arg1[%swap3A_50, %swap3A_51], %broadcast_in_dim3A_41 {strides = array<i32>} : memref<8x64xf32, #tpu.memory_space<vmem>>, vector<1x64xf32>,
    %swap3A_53 = arith.constant 2 : index
    %swap3A_54 = arith.constant 0 : index
    %swap3A_55 = vector.load %arg2[%swap3A_53, %swap3A_54] : memref<8x64xi32, #tpu.memory_space<vmem>>, vector<1x64xi32>
    tpu.vector_store %arg2[%swap3A_53, %swap3A_54], %broadcast_in_dim3A_49 {strides = array<i32>} : memref<8x64xi32, #tpu.memory_space<vmem>>, vector<1x64xi32>,
    %eq3A_56 = vector.broadcast %broadcast_in_dim3A_49 : vector<1x64xi32> to vector<16384x64xi32>
    %eq3A_57 = arith.cmpi eq, %iota3A, %eq3A_56 : vector<16384x64xi32>
    %jit3A_58 = arith.constant 0xFF800000 : f32
    %broadcast_in_dim3A_59 = vector.broadcast %jit3A_58 : f32 to vector<16384x64xf32>
    %select_n3A_60 = arith.select %eq3A_57, %broadcast_in_dim3A_59, %select_n3A_38 : vector<16384x64xi1>, vector<16384x64xf32>
    %reduce_max3A_61 = arith.constant dense<0xFF800000> : vector<64xf32>
    %reduce_max3A_62 = vector.multi_reduction <maximumf>, %select_n3A_60, %reduce_max3A_61 [0] : vector<16384x64xf32> to vector<64xf32>
    %broadcast_in_dim3A_63 = vector.shape_cast %reduce_max3A_62 : vector<64xf32> to vector<1x64xf32>
    %eq3A_64 = vector.broadcast %broadcast_in_dim3A_63 : vector<1x64xf32> to vector<16384x64xf32>
    %eq3A_65 = arith.cmpf oeq, %select_n3A_60, %eq3A_64 : vector<16384x64xf32>
    %jit3A_66 = arith.constant 2147483647 : i32
    %broadcast_in_dim3A_67 = vector.broadcast %jit3A_66 : i32 to vector<16384x64xi32>
    %select_n3A_68 = arith.select %eq3A_65, %iota3A, %broadcast_in_dim3A_67 : vector<16384x64xi1>, vector<16384x64xi32>
    %reduce_min3A_69 = arith.constant dense<2147483647> : vector<64xi32>
    %reduce_min3A_70 = vector.multi_reduction <minsi>, %select_n3A_68, %reduce_min3A_69 [0] : vector<16384x64xi32> to vector<64xi32>
    %broadcast_in_dim3A_71 = vector.shape_cast %reduce_min3A_70 : vector<64xi32> to vector<1x64xi32>
    %swap3A_72 = arith.constant 3 : index
    %swap3A_73 = arith.constant 0 : index
    %swap3A_74 = vector.load %arg1[%swap3A_72, %swap3A_73] : memref<8x64xf32, #tpu.memory_space<vmem>>, vector<1x64xf32>
    tpu.vector_store %arg1[%swap3A_72, %swap3A_73], %broadcast_in_dim3A_63 {strides = array<i32>} : memref<8x64xf32, #tpu.memory_space<vmem>>, vector<1x64xf32>,
    %swap3A_75 = arith.constant 3 : index
    %swap3A_76 = arith.constant 0 : index
    %swap3A_77 = vector.load %arg2[%swap3A_75, %swap3A_76] : memref<8x64xi32, #tpu.memory_space<vmem>>, vector<1x64xi32>
    tpu.vector_store %arg2[%swap3A_75, %swap3A_76], %broadcast_in_dim3A_71 {strides = array<i32>} : memref<8x64xi32, #tpu.memory_space<vmem>>, vector<1x64xi32>,
    %eq3A_78 = vector.broadcast %broadcast_in_dim3A_71 : vector<1x64xi32> to vector<16384x64xi32>
    %eq3A_79 = arith.cmpi eq, %iota3A, %eq3A_78 : vector<16384x64xi32>
    %jit3A_80 = arith.constant 0xFF800000 : f32
    %broadcast_in_dim3A_81 = vector.broadcast %jit3A_80 : f32 to vector<16384x64xf32>
    %select_n3A_82 = arith.select %eq3A_79, %broadcast_in_dim3A_81, %select_n3A_60 : vector<16384x64xi1>, vector<16384x64xf32>
    %reduce_max3A_83 = arith.constant dense<0xFF800000> : vector<64xf32>
    %reduce_max3A_84 = vector.multi_reduction <maximumf>, %select_n3A_82, %reduce_max3A_83 [0] : vector<16384x64xf32> to vector<64xf32>
    %broadcast_in_dim3A_85 = vector.shape_cast %reduce_max3A_84 : vector<64xf32> to vector<1x64xf32>
    %eq3A_86 = vector.broadcast %broadcast_in_dim3A_85 : vector<1x64xf32> to vector<16384x64xf32>
    %eq3A_87 = arith.cmpf oeq, %select_n3A_82, %eq3A_86 : vector<16384x64xf32>
    %jit3A_88 = arith.constant 2147483647 : i32
    %broadcast_in_dim3A_89 = vector.broadcast %jit3A_88 : i32 to vector<16384x64xi32>
    %select_n3A_90 = arith.select %eq3A_87, %iota3A, %broadcast_in_dim3A_89 : vector<16384x64xi1>, vector<16384x64xi32>
    %reduce_min3A_91 = arith.constant dense<2147483647> : vector<64xi32>
    %reduce_min3A_92 = vector.multi_reduction <minsi>, %select_n3A_90, %reduce_min3A_91 [0] : vector<16384x64xi32> to vector<64xi32>
    %broadcast_in_dim3A_93 = vector.shape_cast %reduce_min3A_92 : vector<64xi32> to vector<1x64xi32>
    %swap3A_94 = arith.constant 4 : index
    %swap3A_95 = arith.constant 0 : index
    %swap3A_96 = vector.load %arg1[%swap3A_94, %swap3A_95] : memref<8x64xf32, #tpu.memory_space<vmem>>, vector<1x64xf32>
    tpu.vector_store %arg1[%swap3A_94, %swap3A_95], %broadcast_in_dim3A_85 {strides = array<i32>} : memref<8x64xf32, #tpu.memory_space<vmem>>, vector<1x64xf32>,
    %swap3A_97 = arith.constant 4 : index
    %swap3A_98 = arith.constant 0 : index
    %swap3A_99 = vector.load %arg2[%swap3A_97, %swap3A_98] : memref<8x64xi32, #tpu.memory_space<vmem>>, vector<1x64xi32>
    tpu.vector_store %arg2[%swap3A_97, %swap3A_98], %broadcast_in_dim3A_93 {strides = array<i32>} : memref<8x64xi32, #tpu.memory_space<vmem>>, vector<1x64xi32>,
    %eq3A_100 = vector.broadcast %broadcast_in_dim3A_93 : vector<1x64xi32> to vector<16384x64xi32>
    %eq3A_101 = arith.cmpi eq, %iota3A, %eq3A_100 : vector<16384x64xi32>
    %jit3A_102 = arith.constant 0xFF800000 : f32
    %broadcast_in_dim3A_103 = vector.broadcast %jit3A_102 : f32 to vector<16384x64xf32>
    %select_n3A_104 = arith.select %eq3A_101, %broadcast_in_dim3A_103, %select_n3A_82 : vector<16384x64xi1>, vector<16384x64xf32>
    %reduce_max3A_105 = arith.constant dense<0xFF800000> : vector<64xf32>
    %reduce_max3A_106 = vector.multi_reduction <maximumf>, %select_n3A_104, %reduce_max3A_105 [0] : vector<16384x64xf32> to vector<64xf32>
    %broadcast_in_dim3A_107 = vector.shape_cast %reduce_max3A_106 : vector<64xf32> to vector<1x64xf32>
    %eq3A_108 = vector.broadcast %broadcast_in_dim3A_107 : vector<1x64xf32> to vector<16384x64xf32>
    %eq3A_109 = arith.cmpf oeq, %select_n3A_104, %eq3A_108 : vector<16384x64xf32>
    %jit3A_110 = arith.constant 2147483647 : i32
    %broadcast_in_dim3A_111 = vector.broadcast %jit3A_110 : i32 to vector<16384x64xi32>
    %select_n3A_112 = arith.select %eq3A_109, %iota3A, %broadcast_in_dim3A_111 : vector<16384x64xi1>, vector<16384x64xi32>
    %reduce_min3A_113 = arith.constant dense<2147483647> : vector<64xi32>
    %reduce_min3A_114 = vector.multi_reduction <minsi>, %select_n3A_112, %reduce_min3A_113 [0] : vector<16384x64xi32> to vector<64xi32>
    %broadcast_in_dim3A_115 = vector.shape_cast %reduce_min3A_114 : vector<64xi32> to vector<1x64xi32>
    %swap3A_116 = arith.constant 5 : index
    %swap3A_117 = arith.constant 0 : index
    %swap3A_118 = vector.load %arg1[%swap3A_116, %swap3A_117] : memref<8x64xf32, #tpu.memory_space<vmem>>, vector<1x64xf32>
    tpu.vector_store %arg1[%swap3A_116, %swap3A_117], %broadcast_in_dim3A_107 {strides = array<i32>} : memref<8x64xf32, #tpu.memory_space<vmem>>, vector<1x64xf32>,
    %swap3A_119 = arith.constant 5 : index
    %swap3A_120 = arith.constant 0 : index
    %swap3A_121 = vector.load %arg2[%swap3A_119, %swap3A_120] : memref<8x64xi32, #tpu.memory_space<vmem>>, vector<1x64xi32>
    tpu.vector_store %arg2[%swap3A_119, %swap3A_120], %broadcast_in_dim3A_115 {strides = array<i32>} : memref<8x64xi32, #tpu.memory_space<vmem>>, vector<1x64xi32>,
    %eq3A_122 = vector.broadcast %broadcast_in_dim3A_115 : vector<1x64xi32> to vector<16384x64xi32>
    %eq3A_123 = arith.cmpi eq, %iota3A, %eq3A_122 : vector<16384x64xi32>
    %jit3A_124 = arith.constant 0xFF800000 : f32
    %broadcast_in_dim3A_125 = vector.broadcast %jit3A_124 : f32 to vector<16384x64xf32>
    %select_n3A_126 = arith.select %eq3A_123, %broadcast_in_dim3A_125, %select_n3A_104 : vector<16384x64xi1>, vector<16384x64xf32>
    %reduce_max3A_127 = arith.constant dense<0xFF800000> : vector<64xf32>
    %reduce_max3A_128 = vector.multi_reduction <maximumf>, %select_n3A_126, %reduce_max3A_127 [0] : vector<16384x64xf32> to vector<64xf32>
    %broadcast_in_dim3A_129 = vector.shape_cast %reduce_max3A_128 : vector<64xf32> to vector<1x64xf32>
    %eq3A_130 = vector.broadcast %broadcast_in_dim3A_129 : vector<1x64xf32> to vector<16384x64xf32>
    %eq3A_131 = arith.cmpf oeq, %select_n3A_126, %eq3A_130 : vector<16384x64xf32>
    %jit3A_132 = arith.constant 2147483647 : i32
    %broadcast_in_dim3A_133 = vector.broadcast %jit3A_132 : i32 to vector<16384x64xi32>
    %select_n3A_134 = arith.select %eq3A_131, %iota3A, %broadcast_in_dim3A_133 : vector<16384x64xi1>, vector<16384x64xi32>
    %reduce_min3A_135 = arith.constant dense<2147483647> : vector<64xi32>
    %reduce_min3A_136 = vector.multi_reduction <minsi>, %select_n3A_134, %reduce_min3A_135 [0] : vector<16384x64xi32> to vector<64xi32>
    %broadcast_in_dim3A_137 = vector.shape_cast %reduce_min3A_136 : vector<64xi32> to vector<1x64xi32>
    %swap3A_138 = arith.constant 6 : index
    %swap3A_139 = arith.constant 0 : index
    %swap3A_140 = vector.load %arg1[%swap3A_138, %swap3A_139] : memref<8x64xf32, #tpu.memory_space<vmem>>, vector<1x64xf32>
    tpu.vector_store %arg1[%swap3A_138, %swap3A_139], %broadcast_in_dim3A_129 {strides = array<i32>} : memref<8x64xf32, #tpu.memory_space<vmem>>, vector<1x64xf32>,
    %swap3A_141 = arith.constant 6 : index
    %swap3A_142 = arith.constant 0 : index
    %swap3A_143 = vector.load %arg2[%swap3A_141, %swap3A_142] : memref<8x64xi32, #tpu.memory_space<vmem>>, vector<1x64xi32>
    tpu.vector_store %arg2[%swap3A_141, %swap3A_142], %broadcast_in_dim3A_137 {strides = array<i32>} : memref<8x64xi32, #tpu.memory_space<vmem>>, vector<1x64xi32>,
    %eq3A_144 = vector.broadcast %broadcast_in_dim3A_137 : vector<1x64xi32> to vector<16384x64xi32>
    %eq3A_145 = arith.cmpi eq, %iota3A, %eq3A_144 : vector<16384x64xi32>
    %jit3A_146 = arith.constant 0xFF800000 : f32
    %broadcast_in_dim3A_147 = vector.broadcast %jit3A_146 : f32 to vector<16384x64xf32>
    %select_n3A_148 = arith.select %eq3A_145, %broadcast_in_dim3A_147, %select_n3A_126 : vector<16384x64xi1>, vector<16384x64xf32>
    %reduce_max3A_149 = arith.constant dense<0xFF800000> : vector<64xf32>
    %reduce_max3A_150 = vector.multi_reduction <maximumf>, %select_n3A_148, %reduce_max3A_149 [0] : vector<16384x64xf32> to vector<64xf32>
    %broadcast_in_dim3A_151 = vector.shape_cast %reduce_max3A_150 : vector<64xf32> to vector<1x64xf32>
    %eq3A_152 = vector.broadcast %broadcast_in_dim3A_151 : vector<1x64xf32> to vector<16384x64xf32>
    %eq3A_153 = arith.cmpf oeq, %select_n3A_148, %eq3A_152 : vector<16384x64xf32>
    %jit3A_154 = arith.constant 2147483647 : i32
    %broadcast_in_dim3A_155 = vector.broadcast %jit3A_154 : i32 to vector<16384x64xi32>
    %select_n3A_156 = arith.select %eq3A_153, %iota3A, %broadcast_in_dim3A_155 : vector<16384x64xi1>, vector<16384x64xi32>
    %reduce_min3A_157 = arith.constant dense<2147483647> : vector<64xi32>
    %reduce_min3A_158 = vector.multi_reduction <minsi>, %select_n3A_156, %reduce_min3A_157 [0] : vector<16384x64xi32> to vector<64xi32>
    %broadcast_in_dim3A_159 = vector.shape_cast %reduce_min3A_158 : vector<64xi32> to vector<1x64xi32>
    %swap3A_160 = arith.constant 7 : index
    %swap3A_161 = arith.constant 0 : index
    %swap3A_162 = vector.load %arg1[%swap3A_160, %swap3A_161] : memref<8x64xf32, #tpu.memory_space<vmem>>, vector<1x64xf32>
    tpu.vector_store %arg1[%swap3A_160, %swap3A_161], %broadcast_in_dim3A_151 {strides = array<i32>} : memref<8x64xf32, #tpu.memory_space<vmem>>, vector<1x64xf32>,
    %swap3A_163 = arith.constant 7 : index
    %swap3A_164 = arith.constant 0 : index
    %swap3A_165 = vector.load %arg2[%swap3A_163, %swap3A_164] : memref<8x64xi32, #tpu.memory_space<vmem>>, vector<1x64xi32>
    tpu.vector_store %arg2[%swap3A_163, %swap3A_164], %broadcast_in_dim3A_159 {strides = array<i32>} : memref<8x64xi32, #tpu.memory_space<vmem>>, vector<1x64xi32>,
    return
  }
}

module attributes {stable_mosaic.version = 14 : i64} {
  func.func @_expert_body(%arg0: i32, %arg1: memref<8x1536xf32, #tpu.memory_space<vmem>>, %arg2: memref<1x768x1536xf32, #tpu.memory_space<vmem>>, %arg3: memref<8x1xf32, #tpu.memory_space<vmem>>, %arg4: memref<1536x768xf32, #tpu.memory_space<vmem>>, %arg5: memref<1536x768xf32, #tpu.memory_space<vmem>>, %arg6: memref<8x1536xf32, #tpu.memory_space<vmem>>) attributes {dimension_semantics = [#tpu.dimension_semantics<arbitrary>], iteration_bounds = array<i64: 64>, scalar_prefetch = 0 : i64, scratch_operands = 0 : i64, tpu.core_type = #tpu.core_type<tc>, window_params = [{transform_indices = @transform_0, window_bounds = array<i64: 8, 1536>}, {transform_indices = @transform_1, window_bounds = array<i64: 1, 768, 1536>}, {transform_indices = @transform_2, window_bounds = array<i64: 8, 1>}, {pipeline_mode = #tpu.pipeline_mode<synchronous>, transform_indices = @transform_3, window_bounds = array<i64: 1536, 768>}, {pipeline_mode = #tpu.pipeline_mode<synchronous>, transform_indices = @transform_4, window_bounds = array<i64: 1536, 768>}, {transform_indices = @transform_5, window_bounds = array<i64: 8, 1536>}]} {
    %get3A = arith.constant 0 : index
    %get3A_0 = arith.constant 0 : index
    %get3A_1 = vector.load %arg1[%get3A, %get3A_0] : memref<8x1536xf32, #tpu.memory_space<vmem>>, vector<8x1536xf32>
    %get3A_2 = arith.constant 0 : index
    %get3A_3 = arith.constant 0 : index
    %get3A_4 = vector.load %arg4[%get3A_2, %get3A_3] : memref<1536x768xf32, #tpu.memory_space<vmem>>, vector<1536x768xf32>
    %dot_general3A = arith.constant dense<0.000000e+00> : vector<8x768xf32>
    %dot_general3A_5 = tpu.matmul %get3A_1, %get3A_4, %dot_general3A {dimension_numbers = #tpu.dot_dimension_numbers<[1], [0], [0], [1], [0, 0, 1, 1], [], []>, transpose_lhs_hint = false} : vector<8x1536xf32>, vector<1536x768xf32>, vector<8x768xf32> -> vector<8x768xf32>
    %get3A_6 = arith.constant 0 : index
    %get3A_7 = arith.constant 0 : index
    %get3A_8 = vector.load %arg5[%get3A_6, %get3A_7] : memref<1536x768xf32, #tpu.memory_space<vmem>>, vector<1536x768xf32>
    %dot_general3A_9 = arith.constant dense<0.000000e+00> : vector<8x768xf32>
    %dot_general3A_10 = tpu.matmul %get3A_1, %get3A_8, %dot_general3A_9 {dimension_numbers = #tpu.dot_dimension_numbers<[1], [0], [0], [1], [0, 0, 1, 1], [], []>, transpose_lhs_hint = false} : vector<8x1536xf32>, vector<1536x768xf32>, vector<8x768xf32> -> vector<8x768xf32>
    %get3A_11 = arith.constant 0 : index
    %get3A_12 = arith.constant 0 : index
    %get3A_13 = arith.constant 0 : index
    %get3A_14 = vector.load %arg2[%get3A_11, %get3A_12, %get3A_13] : memref<1x768x1536xf32, #tpu.memory_space<vmem>>, vector<1x768x1536xf32>
    %get3A_15 = vector.shape_cast %get3A_14 : vector<1x768x1536xf32> to vector<768x1536xf32>
    %dot_general3A_16 = arith.constant dense<0.000000e+00> : vector<8x1536xf32>
    %dot_general3A_17 = tpu.matmul %dot_general3A_5, %get3A_15, %dot_general3A_16 {dimension_numbers = #tpu.dot_dimension_numbers<[1], [0], [0], [1], [0, 0, 1, 1], [], []>, transpose_lhs_hint = false} : vector<8x768xf32>, vector<768x1536xf32>, vector<8x1536xf32> -> vector<8x1536xf32>
    %dot_general3A_18 = arith.constant dense<0.000000e+00> : vector<8x1536xf32>
    %dot_general3A_19 = tpu.matmul %dot_general3A_10, %get3A_15, %dot_general3A_18 {dimension_numbers = #tpu.dot_dimension_numbers<[1], [0], [0], [1], [0, 0, 1, 1], [], []>, transpose_lhs_hint = false} : vector<8x768xf32>, vector<768x1536xf32>, vector<8x1536xf32> -> vector<8x1536xf32>
    %iota3A = tpu.iota {dimensions = array<i32: 1>} : vector<8x1536xi32>
    %jit3A = arith.constant 2 : i32
    %eq3A = arith.constant 0 : i32
    %eq3A_20 = arith.cmpi eq, %jit3A, %eq3A : i32
    %jit3A_21 = arith.constant 1 : i32
    %select_n3A = arith.select %eq3A_20, %jit3A_21, %jit3A : i32
    %rem3A = vector.broadcast %select_n3A : i32 to vector<8x1536xi32>
    %rem3A_22 = arith.remsi %iota3A, %rem3A : vector<8x1536xi32>
    %ne3A = arith.constant 0 : i32
    %ne3A_23 = vector.broadcast %ne3A : i32 to vector<8x1536xi32>
    %ne3A_24 = arith.cmpi ne, %rem3A_22, %ne3A_23 : vector<8x1536xi32>
    %lt3A = arith.constant 0 : i32
    %lt3A_25 = vector.broadcast %lt3A : i32 to vector<8x1536xi32>
    %lt3A_26 = arith.cmpi slt, %rem3A_22, %lt3A_25 : vector<8x1536xi32>
    %lt3A_27 = arith.constant 0 : i32
    %lt3A_28 = arith.cmpi slt, %select_n3A, %lt3A_27 : i32
    %ne3A_29 = vector.broadcast %lt3A_28 : i1 to vector<8x1536xi1>
    %ne3A_30 = vector.broadcast %ne3A_29 : vector<8x1536xi1> to vector<8x1536xi1>
    %ne3A_31 = arith.xori %lt3A_26, %ne3A_30 : vector<8x1536xi1>
    %and3A = arith.andi %ne3A_31, %ne3A_24 : vector<8x1536xi1>
    %add3A = vector.broadcast %select_n3A : i32 to vector<8x1536xi32>
    %add3A_32 = arith.addi %rem3A_22, %add3A : vector<8x1536xi32>
    %select_n3A_33 = arith.select %and3A, %add3A_32, %rem3A_22 : vector<8x1536xi1>, vector<8x1536xi32>
    %eq3A_34 = arith.constant 0 : i32
    %eq3A_35 = vector.broadcast %eq3A_34 : i32 to vector<8x1536xi32>
    %eq3A_36 = arith.cmpi eq, %select_n3A_33, %eq3A_35 : vector<8x1536xi32>
    %slice3A = vector.extract_strided_slice %dot_general3A_19 {offsets = [0, 1], sizes = [8, 1535], strides = [1, 1]} : vector<8x1536xf32> to vector<8x1535xf32>
    %slice3A_37 = vector.extract_strided_slice %dot_general3A_19 {offsets = [0, 0], sizes = [8, 1], strides = [1, 1]} : vector<8x1536xf32> to vector<8x1xf32>
    %concatenate3A = tpu.concatenate %slice3A, %slice3A_37 in 1 : vector<8x1535xf32>, vector<8x1xf32> -> vector<8x1536xf32>
    %neg3A = arith.constant 0.000000e+00 : f32
    %neg3A_38 = vector.broadcast %neg3A : f32 to vector<8x1536xf32>
    %neg3A_39 = arith.subf %neg3A_38, %concatenate3A : vector<8x1536xf32>
    %slice3A_40 = vector.extract_strided_slice %dot_general3A_19 {offsets = [0, 1535], sizes = [8, 1], strides = [1, 1]} : vector<8x1536xf32> to vector<8x1xf32>
    %slice3A_41 = vector.extract_strided_slice %dot_general3A_19 {offsets = [0, 0], sizes = [8, 1535], strides = [1, 1]} : vector<8x1536xf32> to vector<8x1535xf32>
    %concatenate3A_42 = tpu.concatenate %slice3A_40, %slice3A_41 in 1 : vector<8x1xf32>, vector<8x1535xf32> -> vector<8x1536xf32>
    %select_n3A_43 = arith.select %eq3A_36, %neg3A_39, %concatenate3A_42 : vector<8x1536xi1>, vector<8x1536xf32>
    %add3A_44 = arith.addf %dot_general3A_17, %select_n3A_43 : vector<8x1536xf32>
    %get3A_45 = arith.constant 0 : index
    %get3A_46 = arith.constant 0 : index
    %get3A_47 = vector.load %arg3[%get3A_45, %get3A_46] : memref<8x1xf32, #tpu.memory_space<vmem>>, vector<8x1xf32>
    %mul3A = vector.broadcast %get3A_47 : vector<8x1xf32> to vector<8x1536xf32>
    %mul3A_48 = arith.mulf %add3A_44, %mul3A : vector<8x1536xf32>
    %swap3A = arith.constant 0 : index
    %swap3A_49 = arith.constant 0 : index
    %swap3A_50 = vector.load %arg6[%swap3A, %swap3A_49] : memref<8x1536xf32, #tpu.memory_space<vmem>>, vector<8x1536xf32>
    tpu.vector_store %arg6[%swap3A, %swap3A_49], %mul3A_48 {strides = array<i32>} : memref<8x1536xf32, #tpu.memory_space<vmem>>, vector<8x1536xf32>,
    return
  }
  func.func @transform_0(%arg0: i32) -> (i32, i32) {
    %c0_i32 = arith.constant 0 : i32
    %c0_i32_0 = arith.constant 0 : i32
    return %arg0, %c0_i32 : i32, i32
  }
  func.func @transform_1(%arg0: i32) -> (i32, i32, i32) {
    %c0_i32 = arith.constant 0 : i32
    %c0_i32_0 = arith.constant 0 : i32
    %c0_i32_1 = arith.constant 0 : i32
    return %arg0, %c0_i32, %c0_i32_0 : i32, i32, i32
  }
  func.func @transform_2(%arg0: i32) -> (i32, i32) {
    %c0_i32 = arith.constant 0 : i32
    %c0_i32_0 = arith.constant 0 : i32
    return %arg0, %c0_i32 : i32, i32
  }
  func.func @transform_3(%arg0: i32) -> (i32, i32) {
    %c0_i32 = arith.constant 0 : i32
    %c0_i32_0 = arith.constant 0 : i32
    %c0_i32_1 = arith.constant 0 : i32
    return %c0_i32, %c0_i32_0 : i32, i32
  }
  func.func @transform_4(%arg0: i32) -> (i32, i32) {
    %c0_i32 = arith.constant 0 : i32
    %c0_i32_0 = arith.constant 0 : i32
    %c0_i32_1 = arith.constant 0 : i32
    return %c0_i32, %c0_i32_0 : i32, i32
  }
  func.func @transform_5(%arg0: i32) -> (i32, i32) {
    %c0_i32 = arith.constant 0 : i32
    %c0_i32_0 = arith.constant 0 : i32
    return %arg0, %c0_i32 : i32, i32
  }
}

module attributes {stable_mosaic.version = 14 : i64} {
  func.func @_combine_body(%arg0: memref<512x1536xf32, #tpu.memory_space<vmem>>, %arg1: memref<512x1xi32, #tpu.memory_space<vmem>>, %arg2: memref<1x512xi32, #tpu.memory_space<vmem>>, %arg3: memref<1x1536xf32, #tpu.memory_space<vmem>>, %arg4: memref<512x1536xbf16, #tpu.memory_space<vmem>>) attributes {dimension_semantics = [], scalar_prefetch = 0 : i64, scratch_operands = 0 : i64, tpu.core_type = #tpu.core_type<tc>} {
    %get3A = arith.constant 0 : index
    %get3A_0 = arith.constant 0 : index
    %get3A_1 = vector.load %arg1[%get3A, %get3A_0] : memref<512x1xi32, #tpu.memory_space<vmem>>, vector<512x1xi32>
    %get3A_2 = arith.constant 0 : index
    %get3A_3 = arith.constant 0 : index
    %get3A_4 = vector.load %arg2[%get3A_2, %get3A_3] : memref<1x512xi32, #tpu.memory_space<vmem>>, vector<1x512xi32>
    %eq3A = vector.broadcast %get3A_1 : vector<512x1xi32> to vector<512x512xi32>
    %eq3A_5 = vector.broadcast %get3A_4 : vector<1x512xi32> to vector<512x512xi32>
    %eq3A_6 = arith.cmpi eq, %eq3A, %eq3A_5 : vector<512x512xi32>
    %convert_element_type3A = arith.extui %eq3A_6 : vector<512x512xi1> to vector<512x512xi32>
    %convert_element_type3A_7 = arith.sitofp %convert_element_type3A : vector<512x512xi32> to vector<512x512xf32>
    %reduce_sum3A = arith.constant dense<0.000000e+00> : vector<512xf32>
    %reduce_sum3A_8 = vector.multi_reduction <add>, %convert_element_type3A_7, %reduce_sum3A [1] : vector<512x512xf32> to vector<512xf32>
    %broadcast_in_dim3A = vector.shape_cast %reduce_sum3A_8 : vector<512xf32> to vector<512x1xf32>
    %get3A_9 = arith.constant 0 : index
    %get3A_10 = arith.constant 0 : index
    %get3A_11 = vector.load %arg0[%get3A_9, %get3A_10] : memref<512x1536xf32, #tpu.memory_space<vmem>>, vector<512x1536xf32>
    %dot_general3A = arith.constant dense<0.000000e+00> : vector<512x1536xf32>
    %dot_general3A_12 = tpu.matmul %convert_element_type3A_7, %get3A_11, %dot_general3A {dimension_numbers = #tpu.dot_dimension_numbers<[1], [0], [0], [1], [0, 0, 1, 1], [], []>, transpose_lhs_hint = false} : vector<512x512xf32>, vector<512x1536xf32>, vector<512x1536xf32> -> vector<512x1536xf32>
    %div3A = vector.broadcast %broadcast_in_dim3A : vector<512x1xf32> to vector<512x1536xf32>
    %div3A_13 = arith.divf %dot_general3A_12, %div3A : vector<512x1536xf32>
    %get3A_14 = arith.constant 0 : index
    %get3A_15 = arith.constant 0 : index
    %get3A_16 = vector.load %arg3[%get3A_14, %get3A_15] : memref<1x1536xf32, #tpu.memory_space<vmem>>, vector<1x1536xf32>
    %mul3A = arith.constant 5.000000e-01 : f32
    %mul3A_17 = vector.broadcast %mul3A : f32 to vector<1x1536xf32>
    %mul3A_18 = arith.mulf %mul3A_17, %get3A_16 : vector<1x1536xf32>
    %mul3A_19 = arith.constant 0.707106769 : f32
    %mul3A_20 = vector.broadcast %mul3A_19 : f32 to vector<1x1536xf32>
    %mul3A_21 = arith.mulf %get3A_16, %mul3A_20 : vector<1x1536xf32>
    %erf3A = math.erf %mul3A_21 : vector<1x1536xf32>
    %add3A = arith.constant 1.000000e+00 : f32
    %add3A_22 = vector.broadcast %add3A : f32 to vector<1x1536xf32>
    %add3A_23 = arith.addf %add3A_22, %erf3A : vector<1x1536xf32>
    %mul3A_24 = arith.mulf %mul3A_18, %add3A_23 : vector<1x1536xf32>
    %add3A_25 = vector.broadcast %get3A_16 : vector<1x1536xf32> to vector<512x1536xf32>
    %add3A_26 = arith.addf %div3A_13, %add3A_25 : vector<512x1536xf32>
    %mul3A_27 = arith.constant 5.000000e-01 : f32
    %mul3A_28 = vector.broadcast %mul3A_27 : f32 to vector<512x1536xf32>
    %mul3A_29 = arith.mulf %mul3A_28, %add3A_26 : vector<512x1536xf32>
    %mul3A_30 = arith.constant 0.707106769 : f32
    %mul3A_31 = vector.broadcast %mul3A_30 : f32 to vector<512x1536xf32>
    %mul3A_32 = arith.mulf %add3A_26, %mul3A_31 : vector<512x1536xf32>
    %erf3A_33 = math.erf %mul3A_32 : vector<512x1536xf32>
    %add3A_34 = arith.constant 1.000000e+00 : f32
    %add3A_35 = vector.broadcast %add3A_34 : f32 to vector<512x1536xf32>
    %add3A_36 = arith.addf %add3A_35, %erf3A_33 : vector<512x1536xf32>
    %mul3A_37 = arith.mulf %mul3A_29, %add3A_36 : vector<512x1536xf32>
    %sub3A = vector.broadcast %mul3A_24 : vector<1x1536xf32> to vector<512x1536xf32>
    %sub3A_38 = arith.subf %mul3A_37, %sub3A : vector<512x1536xf32>
    %div3A_39 = vector.broadcast %broadcast_in_dim3A : vector<512x1xf32> to vector<512x1536xf32>
    %div3A_40 = arith.divf %sub3A_38, %div3A_39 : vector<512x1536xf32>
    %convert_element_type3A_41 = arith.truncf %div3A_40 : vector<512x1536xf32> to vector<512x1536xbf16>
    %swap3A = arith.constant 0 : index
    %swap3A_42 = arith.constant 0 : index
    %swap3A_43 = vector.load %arg4[%swap3A, %swap3A_42] : memref<512x1536xbf16, #tpu.memory_space<vmem>>, vector<512x1536xbf16>
    tpu.vector_store %arg4[%swap3A, %swap3A_42], %convert_element_type3A_41 {strides = array<i32>} : memref<512x1536xbf16, #tpu.memory_space<vmem>>, vector<512x1536xbf16>,
    return
  }
}

module attributes {stable_mosaic.version = 14 : i64} {
  func.func @_fill_body(%arg0: i32, %arg1: memref<1x1536xf32, #tpu.memory_space<vmem>>, %arg2: memref<1x512xi32, #tpu.memory_space<vmem>>, %arg3: memref<512x1536xbf16, #tpu.memory_space<vmem>>, %arg4: memref<2048x1536xf32, #tpu.memory_space<vmem>>, %arg5: memref<2048x1xf32, #tpu.memory_space<vmem>>) attributes {dimension_semantics = [#tpu.dimension_semantics<arbitrary>], iteration_bounds = array<i64: 8>, scalar_prefetch = 0 : i64, scratch_operands = 0 : i64, tpu.core_type = #tpu.core_type<tc>, window_params = [{pipeline_mode = #tpu.pipeline_mode<synchronous>, transform_indices = @transform_0, window_bounds = array<i64: 1, 1536>}, {pipeline_mode = #tpu.pipeline_mode<synchronous>, transform_indices = @transform_1, window_bounds = array<i64: 1, 512>}, {pipeline_mode = #tpu.pipeline_mode<synchronous>, transform_indices = @transform_2, window_bounds = array<i64: 512, 1536>}, {transform_indices = @transform_3, window_bounds = array<i64: 2048, 1536>}, {transform_indices = @transform_4, window_bounds = array<i64: 2048, 1>}]} {
    %iota3A = tpu.iota {dimensions = array<i32: 0>} : vector<2048x512xi32>
    %mul3A = arith.constant 2048 : i32
    %mul3A_0 = arith.muli %arg0, %mul3A : i32
    %add3A = vector.broadcast %mul3A_0 : i32 to vector<2048x512xi32>
    %add3A_1 = arith.addi %iota3A, %add3A : vector<2048x512xi32>
    %get3A = arith.constant 0 : index
    %get3A_2 = arith.constant 0 : index
    %get3A_3 = vector.load %arg2[%get3A, %get3A_2] : memref<1x512xi32, #tpu.memory_space<vmem>>, vector<1x512xi32>
    %eq3A = vector.broadcast %get3A_3 : vector<1x512xi32> to vector<2048x512xi32>
    %eq3A_4 = arith.cmpi eq, %add3A_1, %eq3A : vector<2048x512xi32>
    %convert_element_type3A = arith.extui %eq3A_4 : vector<2048x512xi1> to vector<2048x512xi32>
    %convert_element_type3A_5 = arith.sitofp %convert_element_type3A : vector<2048x512xi32> to vector<2048x512xf32>
    %reduce_sum3A = arith.constant dense<0.000000e+00> : vector<2048xf32>
    %reduce_sum3A_6 = vector.multi_reduction <add>, %convert_element_type3A_5, %reduce_sum3A [1] : vector<2048x512xf32> to vector<2048xf32>
    %broadcast_in_dim3A = vector.shape_cast %reduce_sum3A_6 : vector<2048xf32> to vector<2048x1xf32>
    %swap3A = arith.constant 0 : index
    %swap3A_7 = arith.constant 0 : index
    %swap3A_8 = vector.load %arg5[%swap3A, %swap3A_7] : memref<2048x1xf32, #tpu.memory_space<vmem>>, vector<2048x1xf32>
    tpu.vector_store %arg5[%swap3A, %swap3A_7], %broadcast_in_dim3A {strides = array<i32>} : memref<2048x1xf32, #tpu.memory_space<vmem>>, vector<2048x1xf32>,
    %get3A_9 = arith.constant 0 : index
    %get3A_10 = arith.constant 0 : index
    %get3A_11 = vector.load %arg1[%get3A_9, %get3A_10] : memref<1x1536xf32, #tpu.memory_space<vmem>>, vector<1x1536xf32>
    %mul3A_12 = arith.constant 5.000000e-01 : f32
    %mul3A_13 = vector.broadcast %mul3A_12 : f32 to vector<1x1536xf32>
    %mul3A_14 = arith.mulf %mul3A_13, %get3A_11 : vector<1x1536xf32>
    %mul3A_15 = arith.constant 0.707106769 : f32
    %mul3A_16 = vector.broadcast %mul3A_15 : f32 to vector<1x1536xf32>
    %mul3A_17 = arith.mulf %get3A_11, %mul3A_16 : vector<1x1536xf32>
    %erf3A = math.erf %mul3A_17 : vector<1x1536xf32>
    %add3A_18 = arith.constant 1.000000e+00 : f32
    %add3A_19 = vector.broadcast %add3A_18 : f32 to vector<1x1536xf32>
    %add3A_20 = arith.addf %add3A_19, %erf3A : vector<1x1536xf32>
    %mul3A_21 = arith.mulf %mul3A_14, %add3A_20 : vector<1x1536xf32>
    %convert_element_type3A_22 = arith.truncf %convert_element_type3A_5 : vector<2048x512xf32> to vector<2048x512xbf16>
    %get3A_23 = arith.constant 0 : index
    %get3A_24 = arith.constant 0 : index
    %get3A_25 = vector.load %arg3[%get3A_23, %get3A_24] : memref<512x1536xbf16, #tpu.memory_space<vmem>>, vector<512x1536xbf16>
    %dot_general3A = arith.constant dense<0.000000e+00> : vector<2048x1536xf32>
    %dot_general3A_26 = tpu.matmul %convert_element_type3A_22, %get3A_25, %dot_general3A {dimension_numbers = #tpu.dot_dimension_numbers<[1], [0], [0], [1], [0, 0, 1, 1], [], []>, transpose_lhs_hint = false} : vector<2048x512xbf16>, vector<512x1536xbf16>, vector<2048x1536xf32> -> vector<2048x1536xf32>
    %add3A_27 = vector.broadcast %mul3A_21 : vector<1x1536xf32> to vector<2048x1536xf32>
    %add3A_28 = arith.addf %add3A_27, %dot_general3A_26 : vector<2048x1536xf32>
    %swap3A_29 = arith.constant 0 : index
    %swap3A_30 = arith.constant 0 : index
    %swap3A_31 = vector.load %arg4[%swap3A_29, %swap3A_30] : memref<2048x1536xf32, #tpu.memory_space<vmem>>, vector<2048x1536xf32>
    tpu.vector_store %arg4[%swap3A_29, %swap3A_30], %add3A_28 {strides = array<i32>} : memref<2048x1536xf32, #tpu.memory_space<vmem>>, vector<2048x1536xf32>,
    return
  }
  func.func @transform_0(%arg0: i32) -> (i32, i32) {
    %c0_i32 = arith.constant 0 : i32
    %c0_i32_0 = arith.constant 0 : i32
    %c0_i32_1 = arith.constant 0 : i32
    return %c0_i32, %c0_i32_0 : i32, i32
  }
  func.func @transform_1(%arg0: i32) -> (i32, i32) {
    %c0_i32 = arith.constant 0 : i32
    %c0_i32_0 = arith.constant 0 : i32
    %c0_i32_1 = arith.constant 0 : i32
    return %c0_i32, %c0_i32_0 : i32, i32
  }
  func.func @transform_2(%arg0: i32) -> (i32, i32) {
    %c0_i32 = arith.constant 0 : i32
    %c0_i32_0 = arith.constant 0 : i32
    %c0_i32_1 = arith.constant 0 : i32
    return %c0_i32, %c0_i32_0 : i32, i32
  }
  func.func @transform_3(%arg0: i32) -> (i32, i32) {
    %c0_i32 = arith.constant 0 : i32
    %c0_i32_0 = arith.constant 0 : i32
    return %arg0, %c0_i32 : i32, i32
  }
  func.func @transform_4(%arg0: i32) -> (i32, i32) {
    %c0_i32 = arith.constant 0 : i32
    %c0_i32_0 = arith.constant 0 : i32
    return %arg0, %c0_i32 : i32, i32
  }
}

</mosaic_0001>

<sc_bundles>
// kernel: kernel.8.cloned.1.call-start
scs
__scs_entry_jumppad:
0x0: {  	(pc) =	sbr.rel $0x88, $3  }
0x1: {  	(tag) =	ssettag $0x0;
	lr =	simm.s32 $0x1  }
0x2: {  	[smem:$0x3F9D] =	sst lr;
	_ =	strace $0xD0000000  }
0x3: {  	_ = 	snop  }
0x4: {  	_ = 	snop  }
0x5: {  	_ = 	snop  }
0x6: {  	_ = 	snop  }
0x7: {  	_ = 	snop  }
__scs_overlays_trampoline_lowered:
0x8: {  	[smem:$0x3FAC] =	sst s0  }
0x9: {  	[smem:$0x3FAD] =	sst s1  }
0xa: {  	[smem:$0x3FAE] =	sst s2  }
0xb: {  	[smem:$0x3FAF] =	sst s3  }
0xc: {  	[smem:$0x3FB0] =	sst s4  }
0xd: {  	[smem:$0x3FB1] =	sst s5  }
0xe: {  	[smem:$0x3FB2] =	sst s6  }
0xf: {  	[smem:$0x3FB3] =	sst s7  }
0x10: {  	[smem:$0x3FB4] =	sst s8  }
0x11: {  	[smem:$0x3FB5] =	sst s9;
	s0 =	simm.s32 @!p0 $0x0  }
0x12: {  	s1 =	sld [smem:$0x3F9B];
	s0 =	simm.s32 @p0 $0x1  }
0x13: {  	[smem:$0x3FB6] =	sst s0;
	s0 =	simm.s32 @!p1 $0x0  }
0x14: {  	s2 =	sld [smem:$0x3F9A];
	s0 =	simm.s32 @p1 $0x1  }
0x15: {  	[smem:$0x3FB7] =	sst s0;
	s0 =	simm.s32 @!p2 $0x0  }
0x16: {  	s3 =	sld [smem:$0x3FDB];
	s0 =	simm.s32 @p2 $0x1  }
0x17: {  	s4 =	simm.s32 $0x1BF5;
	[smem:$0x3FB9] =	sst s0  }
0x18: {  	s0 =	sld [smem:$0x3F9C];
	_ =	swait.ge [sflag:s4], $0x0  }
0x19: {  	s7 =	sld [smem:$0x3F9D]  }
0x1a: {  	s8 =	sadd.s32 $0xFFFFE003, lr  }
0x1b: {  	s9 =	sadd.s32 $0xFFFFFEF7, lr;
	s5 =	simm.s32 $0xFFFFFFFF;
	p2 =	slt.u32 s8, $0xFFFFF086  }
0x1c: {  	p1 =	slt.u32 s9, $0xF7A;
	s5 =	simm.s32 @!p2 $0x0  }
0x1d: {  	s5 =	simm.s32 @p1 $0x1;
	p0 =	seq.s32 s7, s2  }
0x1e: {  	s7 =	smul.u32 @!p0 $0xF7A, s2;
	p2 =	seq.s32 @!p0 s5, $0x0  }
0x1f: {  	s9 =	smul.u32 $0xF7A, s1;
	s8 =	simm.s32 @!p0 $0x1BF5;
	p2 =	por !p2, p0  }
0x20: {  	[sflag:s8] =	ssyncset.s32 @!p0 $0xFFFFF086;
	s6 =	sadd.s32 @!p0 s3, s7;
	s7 =	simm.s32 @!p0 $0x108  }
0x21: {  	s3 =	sadd.s32 s3, s9;
	s6 =	sadd.s32 @!p0 $0x88, s6;
	s7 =	simm.s32 @p2 $0x1082  }
0x22: {  	[simem:s7], [sflag:s8] =	dma.local @!p0 [hbm:s6], $0xF7A  }
0x23: {  	s9 =	sor.u32 $0xD0000000, s2;
	s6 =	simm.s32 $0x108;
	_ =	swait.ge @!p0 [sflag:s8], $0x0  }
0x24: {  	s3 =	sadd.s32 $0x88, s3;
	s6 =	simm.s32 @!p1 $0x1082;
	[sflag:s4] =	ssyncset.s32 $0xFFFFF086  }
0x25: {  	[simem:s6], [sflag:s4] =	dma.local [hbm:s3], $0xF7A  }
0x26: {  	[smem:$0x3F9D] =	sst s1;
	(tag) =	ssettag s2;
	_ =	strace s9  }
0x27: {  	s1 =	sld [smem:$0x3FAD]  }
0x28: {  	s2 =	sld [smem:$0x3FAE]  }
0x29: {  	s4 =	sld [smem:$0x3FB0]  }
0x2a: {  	p0 =	seq.s32 s5, $0x0;
	s5 =	sld [smem:$0x3FB1]  }
0x2b: {  	s6 =	sld [smem:$0x3FB2]  }
0x2c: {  	s7 =	sld [smem:$0x3FB3]  }
0x2d: {  	s3 =	simm.s32 $0x108;
	s8 =	sld [smem:$0x3FB4]  }
0x2e: {  	s3 =	simm.s32 @!p0 $0x1082;
	s9 =	sld [smem:$0x3FB5]  }
0x2f: {  	lr =	sadd.s32 s0, s3;
	s0 =	sld [smem:$0x3FAC]  }
0x30: {  	s3 =	sld [smem:$0x3FAF]  }
0x31: {  	[smem:$0x3FB8] =	sst s10  }
0x32: {  	s10 =	sld [smem:$0x3FB6];
	_ =	sdelay $0x3  }
0x33: {  	p0 =	seq.s32 s10, $0x1;
	s10 =	sld [smem:$0x3FB8];
	_ =	sdelay $0x3  }
0x34: {  	[smem:$0x3FB8] =	sst s10  }
0x35: {  	s10 =	sld [smem:$0x3FB7];
	_ =	sdelay $0x3  }
0x36: {  	p1 =	seq.s32 s10, $0x1;
	s10 =	sld [smem:$0x3FB8];
	_ =	sdelay $0x3  }
0x37: {  	[smem:$0x3FB8] =	sst s10  }
0x38: {  	s10 =	sld [smem:$0x3FB9]  }
0x39: {  	_ = 	snop;
	(pc) =	sbr.ind lr, $3  }
0x3a: {  	_ = 	snop  }
0x3b: {  	_ = 	snop  }
0x3c: {  	p2 =	seq.s32 s10, $0x1;
	s10 =	sld [smem:$0x3FB8]  }
0x3d: {  	_ =	shalt  }
0x3e: {  	_ =	shalt  }
0x3f: {  	_ =	shalt  }
0x40: {  	_ =	shalt  }
0x41: {  	_ =	shalt  }
0x42: {  	_ =	shalt  }
0x43: {  	_ =	shalt  }
0x44: {  	_ =	shalt  }
0x45: {  	_ =	shalt  }
0x46: {  	_ =	shalt  }
0x47: {  	_ =	shalt  }
0x48: {  	_ =	shalt  }
0x49: {  	_ =	shalt  }
0x4a: {  	_ =	shalt  }
0x4b: {  	_ =	shalt  }
0x4c: {  	_ =	shalt  }
0x4d: {  	_ =	shalt  }
0x4e: {  	_ =	shalt  }
0x4f: {  	_ =	shalt  }
0x50: {  	_ =	shalt  }
0x51: {  	_ =	shalt  }
0x52: {  	_ =	shalt  }
0x53: {  	_ =	shalt  }
0x54: {  	_ =	shalt  }
0x55: {  	_ =	shalt  }
0x56: {  	_ =	shalt  }
0x57: {  	_ =	shalt  }
0x58: {  	_ =	shalt  }
0x59: {  	_ =	shalt  }
0x5a: {  	_ =	shalt  }
0x5b: {  	_ =	shalt  }
0x5c: {  	_ =	shalt  }
0x5d: {  	_ =	shalt  }
0x5e: {  	_ =	shalt  }
0x5f: {  	_ =	shalt  }
0x60: {  	_ =	shalt  }
0x61: {  	_ =	shalt  }
0x62: {  	_ =	shalt  }
0x63: {  	_ =	shalt  }
0x64: {  	_ =	shalt  }
0x65: {  	_ =	shalt  }
0x66: {  	_ =	shalt  }
0x67: {  	_ =	shalt  }
0x68: {  	_ =	shalt  }
0x69: {  	_ =	shalt  }
0x6a: {  	_ =	shalt  }
0x6b: {  	_ =	shalt  }
0x6c: {  	_ =	shalt  }
0x6d: {  	_ =	shalt  }
0x6e: {  	_ =	shalt  }
0x6f: {  	_ =	shalt  }
0x70: {  	_ =	shalt  }
0x71: {  	_ =	shalt  }
0x72: {  	_ =	shalt  }
0x73: {  	_ =	shalt  }
0x74: {  	_ =	shalt  }
0x75: {  	_ =	shalt  }
0x76: {  	_ =	shalt  }
0x77: {  	_ =	shalt  }
0x78: {  	_ =	shalt  }
0x79: {  	_ =	shalt  }
0x7a: {  	_ =	shalt  }
0x7b: {  	_ =	shalt  }
0x7c: {  	_ =	shalt  }
0x7d: {  	_ =	shalt  }
0x7e: {  	_ =	shalt  }
0x7f: {  	_ =	shalt  }
0x80: {  	_ =	shalt  }
0x81: {  	_ =	shalt  }
0x82: {  	_ =	shalt  }
0x83: {  	_ =	shalt  }
0x84: {  	_ =	shalt  }
0x85: {  	_ =	shalt  }
0x86: {  	_ =	shalt  }
0x87: {  	_ =	shalt  }
.Lfunc_end0:
.L_simem_size_0:
called_computation.1_lowered:
.L_overlay_start_0:
0x88: {  	s2 =	sld [smem:$0x3FD9]  }
0x89: {  	s3 =	sld [smem:$0x3FFE];
	_ =	sdelay $0x1  }
0x8a: {  	s1 =	srdreg.scid  }
0x8b: {  	s0 =	sand.u32 $0x1, s1  }
0x8c: {  	s14 =	sshll.u32 s0, $0xA;
	s2 =	sadd.s32 s3, s2  }
0x8d: {  	s2 =	sadd.s32 s2, s14  }
0x8e: {  	[smem:$0x3FC4] =	sst s2  }
0x8f: {  	_ = 	snop  }
0x90: {  	s2 =	sld [smem:$0x3FD0];
	_ =	sdelay $0x2  }
0x91: {  	s15 =	simm.s32 $0xA;
	s4 =	simm.s32 $0x10  }
0x92: {  	[smem:s4], [sflag:s15] =	dma.local [hbm:s2], $0x1  }
0x93: {  	_ =	swait.eq [sflag:s15], $0x1  }
0x94: {  	[sflag:s15] =	ssyncset.done $0x0  }
0x95: {  	[sflag:s15] =	ssyncadd.s32 $0xFFFFFFFF  }
0x96: {  	s16 =	sld [smem:$0x10];
	(tm) =	ssettm $0x1  }
0x97: {  	s17 =	sld [smem:$0x3FFB];
	_ =	sdelay $0x3  }
0x98: {  	_ =	strace s17  }
0x99: {  	s3 =	sld [smem:$0x3FFC];
	_ =	sdelay $0x3  }
0x9a: {  	_ =	strace s3  }
0x9b: {  	s3 =	sld [smem:$0x3FFD];
	_ =	sdelay $0x3  }
0x9c: {  	_ =	strace s3  }
0x9d: {  	_ =	strace $0x8FFFFFFF  }
0x9e: {  	s18 =	sld [smem:$0x3FDB];
	_ =	sdelay $0x1  }
0x9f: {  	s19 =	simm.s32 $_scs_section_size  }
0xa0: {  	s5 =	simm.s32 $_size__tile_overlayer_lowered;
	s6 =	simm.s32 $_tile_overlayer_lowered  }
0xa1: {  	s22 =	simm.s32 $0x1BFF;
	s21 =	sshll.u32 s6, $0x1;
	s3 =	sadd.s32 s19, s18  }
0xa2: {  	s7 =	simm.s32 $0x0;
	s20 =	sshll.u32 s5, $0x1;
	s5 =	sadd.s32 s21, s3  }
0xa3: {  	[timem:s7], [sflag:s22] =	dma.local [hbm:s5], s20  }
0xa4: {  	_ =	swait.ge [sflag:s22], s20  }
0xa5: {  	s4 =	ssub.s32 $0x0, s20;
	[sflag:s22] =	ssyncset.done $0x0  }
0xa6: {  	[sflag:s22] =	ssyncadd.s32 s4;
	_ =	sdelay $0x1  }
0xa7: {  	s23 =	simm.s32 $0x1B8B  }
0xa8: {  	_ =	swait.ge [sflag:s23], $0x1  }
0xa9: {  	[sflag:s23] =	ssyncset.done $0x0  }
0xaa: {  	s25 =	simm.s32 $0x1B8E;
	s24 =	sld [smem:$0x3FFE];
	[sflag:s23] =	ssyncadd.s32 $0xFFFFFFFF  }
0xab: {  	s26 =	simm.s32 $execute0_lowered;
	[smem:$0x3FD2] =	sst s25  }
0xac: {  	s5 =	sshll.u32 s26, $0x1;
	_ =	strace $0x80000046;
	[dreg:$0x1] =	wrdreg $0xFFFFFFFF  }
0xad: {  	s28 =	simm.s32 $_size_execute0_lowered;
	s3 =	sadd.s32 s3, s5;
	[dreg:$0x0] =	wrdreg $0x0  }
0xae: {  	s5 =	sshll.u32 s28, $0x1;
	[dreg:$0x2] =	wrdreg s3  }
0xaf: {  	[dreg:$0x3] =	wrdreg s5  }
0xb0: {  	[dreg:$0x4] =	wrdreg $0xC0  }
0xb1: {  	_ =	task [dreg:s7], $0x5FFFF  }
0xb2: {  	[dreg:$0x1] =	wrdreg $0xFFFFFFFF  }
0xb3: {  	[dreg:$0x0] =	wrdreg $0x60  }
0xb4: {  	[dreg:$0x2] =	wrdreg s16  }
0xb5: {  	[dreg:$0x3] =	wrdreg s24  }
0xb6: {  	[dreg:$0x4] =	wrdreg $0x9  }
0xb7: {  	_ =	task.clear_ibuf [dreg:s7], $0x5FFFF;
	_ =	strace $0x90000046  }
0xb8: {  	s29 =	simm.s32 $0x9;
	_ =	strace $0x80000048  }
0xb9: {  	_ =	swait.ge [sflag:s29], $0x1  }
0xba: {  	[sflag:s29] =	ssyncadd.s32 $0xFFFFFFFF  }
0xbb: {  	_ =	strace $0x90000048  }
0xbc: {  	_ =	sfence  }
0xbd: {  	s30 =	sld [smem:$0x0];
	_ =	sdelay $0x2  }
0xbe: {  	s31 =	sshll.u32 s1, $0xD;
	s1 =	sshrl.u32 s1, $0x2  }
0xbf: {  	s3 =	sand.u32 $0x4000, s31;
	s1 =	sadd.s32 s1, s30  }
0xc0: {  	s0 =	sor.u32 s3, s0;
	s1 =	sshll.u32 s1, $0x11  }
0xc1: {  	s0 =	sor.u32 s1, s0  }
0xc2: {  	s0 =	sadd.s32 $0x8F2B, s0  }
0xc3: {  	[sflag:s0] =	ssyncadd.remote.s32 $0x1  }
0xc4: {  	_ =	sfence.sel $0xFFFF  }
0xc5: {  	[dreg:$0x0] =	wrdreg $0xFFFFFFFF;
	(pc) =	sbr.abs _section_cstart, $3  }
0xc6: {  	[dreg:$0x1] =	wrdreg $0xFFFFFFFF  }
0xc7: {  	_ =	task.clear_ibuf [dreg:s7], $0x2FFFF;
	_ =	strace $0x9FFFFFFF  }
0xc8: {  	(tm) =	ssettm $0x7FFFFFFF  }
0xc9: {  	_ =	shalt  }
tec
execute0_lowered:
.L_overlay_start_1:
0x0: {  	(tag) =	ssettag $0x1  }
0x1: {  	s1 =	srdreg.scid  }
0x2: {  	s2 =	rddreg [dreg:$0x0];
	s0 =	stileid.u32;
	s23 =	sand.u32 $0x1, s1  }
0x3: {  	s24 =	rddreg [dreg:$0x1];
	s4 =	sshll.u32 s0, $0x2;
	s5 =	sshll.u32 s23, $0x1  }
0x4: {  	s3 =	simm.s32 $0x0;
	s1 =	rddreg [dreg:$0x2];
	s25 =	sor.u32 s5, s4  }
0x5: {  	[smem:$0x7FF] =	sst s3;
	s4 =	sadd.s32 s25, s24  }
0x6: {  	_ =	strace $0x80000047;
	s5 =	sadd.s32 $0x1C00, s4;
	s4 =	simm.s32 $0x2  }
0x7: {  	[tilespmem:s3], [sflag:$0x2] =	stream.linear.gather [hbm4b:s5+s3], $0x10, $0x38;
	[tilespmem:$0x6080] =	vst v63  }
0x8: {  	_ =	swait.ge [sflag:s4], $0x10  }
0x9: {  	[sflag:s4] =	ssyncset.done $0x0  }
0xa: {  	[sflag:s4] =	ssyncadd.s32 $0xFFFFFFF0  }
0xb: {  	v0 =	vld [tilespmem:$0x0];
	_ =	sdelay $0x4  }
0xc: {  	v1 =	vshrl.u32 v0, $0x3  }
0xd: {  	v1 =	vmul.u32 $0x60, v1  }
0xe: {  	v2 =	vlaneseq.u32;
	v3 =	vand.u32 $0x7, v0  }
0xf: {  	v4 =	vshrl.u32 v2, $0x3;
	v0 =	vand.u32 $0x7, v2;
	v3 =	vor.u32 v3, v1  }
0x10: {  	v1 =	vmul.u32 $0x8, v4;
	v63 =	vperm.xlane v3, v0;
	_ =	sdelay $0x1  }
0x11: {  	v4 =	vadd.s32 v1, v63;
	_ =	sdelay $0x3  }
0x12: {  	vm0 =	vmmov $0xffff;
	s6 =	simm.s32 $0x80  }
0x13: {  	[tilespmem:s6], [sflag:$0x1] =	stream.indirect_vreg.gather [hbm4b:s2+s3], $0x80, v4, vm0, $0xb8;
	[tilespmem:$0x6080] =	vst v63  }
0x14: {  	s8 =	simm.s32 $0x880;
	s7 =	sadd.s32 $0x100, s2  }
0x15: {  	[tilespmem:s8], [sflag:$0x1] =	stream.indirect_vreg.gather [hbm4b:s7+s3], $0x80, v4, vm0, $0xb8;
	[tilespmem:$0x6080] =	vst v63  }
0x16: {  	s10 =	simm.s32 $0x1080;
	s9 =	sadd.s32 $0x200, s2  }
0x17: {  	v2 =	vor.u32 $0x8, v2;
	[tilespmem:s10], [sflag:$0x1] =	stream.indirect_vreg.gather [hbm4b:s9+s3], $0x80, v4, vm0, $0xb8;
	[tilespmem:$0x6080] =	vst v63  }
0x18: {  	s12 =	simm.s32 $0x1880;
	s11 =	sadd.s32 $0x300, s2;
	v3 =	vperm.xlane v3, v2  }
0x19: {  	[tilespmem:s12], [sflag:$0x1] =	stream.indirect_vreg.gather [hbm4b:s11+s3], $0x80, v4, vm0, $0xb8;
	[tilespmem:$0x6080] =	vst v63  }
0x1a: {  	s14 =	simm.s32 $0x2080;
	s13 =	sadd.s32 $0x400, s2;
	v3 =	vadd.s32 v1, v3  }
0x1b: {  	[tilespmem:s14], [sflag:$0x1] =	stream.indirect_vreg.gather [hbm4b:s13+s3], $0x80, v4, vm0, $0xb8;
	[tilespmem:$0x6080] =	vst v63  }
0x1c: {  	s16 =	simm.s32 $0x2880;
	s15 =	sadd.s32 $0x500, s2  }
0x1d: {  	[tilespmem:s16], [sflag:$0x1] =	stream.indirect_vreg.gather [hbm4b:s15+s3], $0x80, v4, vm0, $0xb8;
	[tilespmem:$0x6080] =	vst v63  }
0x1e: {  	s17 =	simm.s32 $0x3080  }
0x1f: {  	[tilespmem:s17], [sflag:$0x1] =	stream.indirect_vreg.gather [hbm4b:s2+s3], $0x80, v3, vm0, $0xb8;
	[tilespmem:$0x6080] =	vst v63  }
0x20: {  	s18 =	simm.s32 $0x3880  }
0x21: {  	[tilespmem:s18], [sflag:$0x1] =	stream.indirect_vreg.gather [hbm4b:s7+s3], $0x80, v3, vm0, $0xb8;
	[tilespmem:$0x6080] =	vst v63  }
0x22: {  	s19 =	simm.s32 $0x4080;
	s26 =	ssub.s32 $0x2, s23  }
0x23: {  	[tilespmem:s19], [sflag:$0x1] =	stream.indirect_vreg.gather [hbm4b:s9+s3], $0x80, v3, vm0, $0xb8;
	[tilespmem:$0x6080] =	vst v63  }
0x24: {  	s20 =	simm.s32 $0x4880;
	s21 =	simm.s32 $0x5080;
	s28 =	sshrl.u32 s26, $0x1  }
0x25: {  	[tilespmem:s20], [sflag:$0x1] =	stream.indirect_vreg.gather [hbm4b:s11+s3], $0x80, v3, vm0, $0xb8;
	[tilespmem:$0x6080] =	vst v63  }
0x26: {  	s22 =	simm.s32 $0x5880;
	s25 =	smul.u32 $0x600, s25;
	s31 =	ssub.s32 s26, s28  }
0x27: {  	[tilespmem:s21], [sflag:$0x1] =	stream.indirect_vreg.gather [hbm4b:s13+s3], $0x80, v3, vm0, $0xb8;
	[tilespmem:$0x6080] =	vst v63  }
0x28: {  	s23 =	simm.s32 $0x1;
	s24 =	sadd.s32 s25, s24;
	s25 =	smax.u32 s31, $0x1  }
0x29: {  	[tilespmem:s22], [sflag:$0x1] =	stream.indirect_vreg.gather [hbm4b:s15+s3], $0x80, v3, vm0, $0xb8;
	[tilespmem:$0x6080] =	vst v63  }
0x2a: {  	p0 =	sne.s32 s25, $0x1;
	_ =	swait.ge [sflag:s23], $0x6000  }
.Ltmp0:
0x2b: {  	[sflag:s23] =	ssyncset.done $0x0;
	(pc) =	sbr.rel @!p0 .LBB2_2-.Ltmp0, $4  }
0x2c: {  	s24 =	sadd.s32 $0x1E00, s24;
	[sflag:s23] =	ssyncadd.s32 $0xFFFFA000  }
0x2d: {  	[hbm4b:s24+s3] =	stream.linear.scatter [tilespmem:s6], [sflag:$0x2], $0x6000, $0x38;
	[tilespmem:$0x6080] =	vst v63  }
0x2e: {  	_ =	swait.ge [sflag:s4], $0x6000  }
0x2f: {  	s25 =	sadd.s32 $0xFFFFFFFF, s25;
	[sflag:s4] =	ssyncset.done $0x0  }
.LBB2_1:
0x30: {  	p0 =	sne.s32 s25, $0x1;
	s25 =	sadd.s32 $0xFFFFFFFF, s25;
	[sflag:s4] =	ssyncadd.s32 $0xFFFFA000  }
0x31: {  	[tilespmem:s3], [sflag:$0x2] =	stream.linear.gather [hbm4b:s5+s3], $0x10, $0x38;
	[tilespmem:$0x6080] =	vst v63  }
0x32: {  	_ =	swait.ge [sflag:s4], $0x10  }
0x33: {  	[sflag:s4] =	ssyncset.done $0x0  }
0x34: {  	[sflag:s4] =	ssyncadd.s32 $0xFFFFFFF0  }
0x35: {  	v3 =	vld [tilespmem:$0x0];
	_ =	sdelay $0x4  }
0x36: {  	v4 =	vshrl.u32 v3, $0x3  }
0x37: {  	v4 =	vmul.u32 $0x60, v4  }
0x38: {  	v3 =	vand.u32 $0x7, v3  }
0x39: {  	v3 =	vor.u32 v3, v4  }
0x3a: {  	v4 =	vperm.xlane v3, v0;
	v3 =	vperm.xlane v3, v2;
	_ =	sdelay $0x1  }
0x3b: {  	v4 =	vadd.s32 v1, v4;
	_ =	sdelay $0x4  }
0x3c: {  	[tilespmem:s6], [sflag:$0x1] =	stream.indirect_vreg.gather [hbm4b:s2+s3], $0x80, v4, vm0, $0xb8;
	[tilespmem:$0x6080] =	vst v63  }
0x3d: {  	_ = 	snop  }
0x3e: {  	[tilespmem:s8], [sflag:$0x1] =	stream.indirect_vreg.gather [hbm4b:s7+s3], $0x80, v4, vm0, $0xb8;
	[tilespmem:$0x6080] =	vst v63  }
0x3f: {  	_ = 	snop  }
0x40: {  	[tilespmem:s10], [sflag:$0x1] =	stream.indirect_vreg.gather [hbm4b:s9+s3], $0x80, v4, vm0, $0xb8;
	[tilespmem:$0x6080] =	vst v63  }
0x41: {  	_ = 	snop  }
0x42: {  	[tilespmem:s12], [sflag:$0x1] =	stream.indirect_vreg.gather [hbm4b:s11+s3], $0x80, v4, vm0, $0xb8;
	[tilespmem:$0x6080] =	vst v63  }
0x43: {  	v3 =	vadd.s32 v1, v3  }
0x44: {  	[tilespmem:s14], [sflag:$0x1] =	stream.indirect_vreg.gather [hbm4b:s13+s3], $0x80, v4, vm0, $0xb8;
	[tilespmem:$0x6080] =	vst v63  }
0x45: {  	_ = 	snop  }
0x46: {  	[tilespmem:s16], [sflag:$0x1] =	stream.indirect_vreg.gather [hbm4b:s15+s3], $0x80, v4, vm0, $0xb8;
	[tilespmem:$0x6080] =	vst v63  }
0x47: {  	_ = 	snop  }
0x48: {  	[tilespmem:s17], [sflag:$0x1] =	stream.indirect_vreg.gather [hbm4b:s2+s3], $0x80, v3, vm0, $0xb8;
	[tilespmem:$0x6080] =	vst v63  }
0x49: {  	_ = 	snop  }
0x4a: {  	[tilespmem:s18], [sflag:$0x1] =	stream.indirect_vreg.gather [hbm4b:s7+s3], $0x80, v3, vm0, $0xb8;
	[tilespmem:$0x6080] =	vst v63  }
0x4b: {  	_ = 	snop  }
0x4c: {  	[tilespmem:s19], [sflag:$0x1] =	stream.indirect_vreg.gather [hbm4b:s9+s3], $0x80, v3, vm0, $0xb8;
	[tilespmem:$0x6080] =	vst v63  }
0x4d: {  	_ = 	snop  }
0x4e: {  	[tilespmem:s20], [sflag:$0x1] =	stream.indirect_vreg.gather [hbm4b:s11+s3], $0x80, v3, vm0, $0xb8;
	[tilespmem:$0x6080] =	vst v63  }
0x4f: {  	_ = 	snop  }
0x50: {  	[tilespmem:s21], [sflag:$0x1] =	stream.indirect_vreg.gather [hbm4b:s13+s3], $0x80, v3, vm0, $0xb8;
	[tilespmem:$0x6080] =	vst v63  }
0x51: {  	_ = 	snop  }
0x52: {  	[tilespmem:s22], [sflag:$0x1] =	stream.indirect_vreg.gather [hbm4b:s15+s3], $0x80, v3, vm0, $0xb8;
	[tilespmem:$0x6080] =	vst v63  }
0x53: {  	_ =	swait.ge [sflag:s23], $0x6000  }
.Ltmp1:
0x54: {  	[sflag:s23] =	ssyncset.done $0x0;
	(pc) =	sbr.rel @p0 .LBB2_1-.Ltmp1, $4  }
0x55: {  	[sflag:s23] =	ssyncadd.s32 $0xFFFFA000  }
0x56: {  	[hbm4b:s24+s3] =	stream.linear.scatter [tilespmem:s6], [sflag:$0x2], $0x6000, $0x38;
	[tilespmem:$0x6080] =	vst v63  }
0x57: {  	_ =	swait.ge [sflag:s4], $0x6000  }
0x58: {  	[sflag:s4] =	ssyncset.done $0x0  }
.LBB2_2:
0x59: {  	[sflag:s4] =	ssyncadd.s32 $0xFFFFA000  }
0x5a: {  	_ =	sfence.sel $0x180000  }
0x5b: {  	[bflag:$0x0] =	sbarrier.arrive $0xFFFF  }
0x5c: {  	p0 =	sne.s32 s0, $0x0;
	_ =	strace $0x90000047  }
0x5d: {  	s0 =	sadd.s32 @!p0 $0x100000, s1;
	[bflag:$0x2] =	sbarrier.arrive $0xFFFF  }
0x5e: {  	[sflag:s0] =	ssyncadd.tile.s32 @!p0 $0x1;
	_ =	shalt  }
.Lfunc_end2:
_tile_overlayer_lowered:
.L_overlay_start_2:
0x5f: {  	(tag) =	ssettag $0x2  }
0x60: {  	s0 =	rddreg [dreg:$0x0];
	s2 =	stileid.u32  }
0x61: {  	s1 =	rddreg [dreg:$0x1];
	p0 =	sne.s32 s2, $0x0  }
0x62: {  	s3 =	rddreg [dreg:$0x2];
	[bflag:$0x3] =	sbarrier.arrive $0xFFFF;
	s2 =	simm.s32 @!p0 $0x1C02  }
0x63: {  	[timem:s3], [sflag:s2] =	dma.local @!p0 [hbm:s0], s1  }
0x64: {  	s0 =	simm.s32 @!p0 $0x2  }
0x65: {  	_ =	swait.ge @!p0 [sflag:s0], s1  }
0x66: {  	s1 =	ssub.s32 @!p0 $0x0, s1;
	[sflag:s0] =	ssyncset.done @!p0 $0x0  }
0x67: {  	[sflag:s0] =	ssyncadd.s32 @!p0 s1  }
0x68: {  	[bflag:$0x3] =	sbarrier.arrive $0xFFFF  }
0x69: {  	_ =	shalt  }

// kernel: sparse-core-data-format-call.cloned.1.call-start
scs
called_computation_lowered:
.L_overlay_start_0:
0x0: {  	s2 =	sld [smem:$0x3FD9]  }
0x1: {  	s3 =	sld [smem:$0x3FFE];
	_ =	sdelay $0x1  }
0x2: {  	s1 =	srdreg.scid  }
0x3: {  	s0 =	sand.u32 $0x1, s1  }
0x4: {  	s15 =	sshll.u32 s0, $0xA;
	s2 =	sadd.s32 s3, s2  }
0x5: {  	s2 =	sadd.s32 s2, s15  }
0x6: {  	[smem:$0x3FC4] =	sst s2  }
0x7: {  	_ = 	snop  }
0x8: {  	s2 =	sld [smem:$0x3FD0];
	_ =	sdelay $0x2  }
0x9: {  	s16 =	simm.s32 $0xA;
	s4 =	simm.s32 $0x10  }
0xa: {  	[smem:s4], [sflag:s16] =	dma.local [hbm:s2], $0x1  }
0xb: {  	_ =	swait.eq [sflag:s16], $0x1  }
0xc: {  	[sflag:s16] =	ssyncset.done $0x0  }
0xd: {  	[sflag:s16] =	ssyncadd.s32 $0xFFFFFFFF  }
0xe: {  	s17 =	sld [smem:$0x10];
	(tm) =	ssettm $0x1  }
0xf: {  	s18 =	sld [smem:$0x3FFB];
	_ =	sdelay $0x3  }
0x10: {  	_ =	strace s18  }
0x11: {  	s3 =	sld [smem:$0x3FFC];
	_ =	sdelay $0x3  }
0x12: {  	_ =	strace s3  }
0x13: {  	s3 =	sld [smem:$0x3FFD];
	_ =	sdelay $0x3  }
0x14: {  	_ =	strace s3  }
0x15: {  	_ =	strace $0x8FFFFFFF  }
0x16: {  	s19 =	sld [smem:$0x3FDB];
	_ =	sdelay $0x1  }
0x17: {  	s20 =	simm.s32 $_scs_section_size  }
0x18: {  	s5 =	simm.s32 $_size__tile_overlayer_lowered;
	s6 =	simm.s32 $_tile_overlayer_lowered  }
0x19: {  	s23 =	simm.s32 $0x1BFF;
	s22 =	sshll.u32 s6, $0x1;
	s3 =	sadd.s32 s20, s19  }
0x1a: {  	s7 =	simm.s32 $0x0;
	s21 =	sshll.u32 s5, $0x1;
	s5 =	sadd.s32 s22, s3  }
0x1b: {  	[timem:s7], [sflag:s23] =	dma.local [hbm:s5], s21  }
0x1c: {  	_ =	swait.ge [sflag:s23], s21  }
0x1d: {  	s4 =	ssub.s32 $0x0, s21;
	[sflag:s23] =	ssyncset.done $0x0  }
0x1e: {  	[sflag:s23] =	ssyncadd.s32 s4;
	_ =	sdelay $0x1  }
0x1f: {  	s24 =	simm.s32 $0x1B8B  }
0x20: {  	_ =	swait.ge [sflag:s24], $0x1  }
0x21: {  	[sflag:s24] =	ssyncset.done $0x0  }
0x22: {  	s26 =	simm.s32 $0x1B8E;
	s25 =	sld [smem:$0x3FFE];
	[sflag:s24] =	ssyncadd.s32 $0xFFFFFFFF  }
0x23: {  	s27 =	simm.s32 $execute0_lowered;
	[smem:$0x3FD2] =	sst s26  }
0x24: {  	s5 =	sshll.u32 s27, $0x1;
	_ =	strace $0x80000049;
	[dreg:$0x1] =	wrdreg $0xFFFFFFFF  }
0x25: {  	s28 =	simm.s32 $_size_execute0_lowered;
	s3 =	sadd.s32 s3, s5;
	[dreg:$0x0] =	wrdreg $0x0  }
0x26: {  	s5 =	sshll.u32 s28, $0x1;
	[dreg:$0x2] =	wrdreg s3  }
0x27: {  	[dreg:$0x3] =	wrdreg s5  }
0x28: {  	[dreg:$0x4] =	wrdreg $0xC0  }
0x29: {  	_ =	task [dreg:s7], $0x5FFFF  }
0x2a: {  	[dreg:$0x1] =	wrdreg $0xFFFFFFFF  }
0x2b: {  	[dreg:$0x0] =	wrdreg $0x60  }
0x2c: {  	[dreg:$0x2] =	wrdreg s25  }
0x2d: {  	[dreg:$0x3] =	wrdreg s17  }
0x2e: {  	[dreg:$0x4] =	wrdreg $0x9  }
0x2f: {  	_ =	task.clear_ibuf [dreg:s7], $0x5FFFF;
	_ =	strace $0x90000049  }
0x30: {  	s29 =	simm.s32 $0x9;
	_ =	strace $0x8000004B  }
0x31: {  	_ =	swait.ge [sflag:s29], $0x1  }
0x32: {  	[sflag:s29] =	ssyncadd.s32 $0xFFFFFFFF  }
0x33: {  	_ =	strace $0x9000004B  }
0x34: {  	_ =	sfence  }
0x35: {  	s30 =	sld [smem:$0x0];
	_ =	sdelay $0x2  }
0x36: {  	s31 =	sshll.u32 s1, $0xD;
	s1 =	sshrl.u32 s1, $0x2  }
0x37: {  	s3 =	sand.u32 $0x4000, s31;
	s1 =	sadd.s32 s1, s30  }
0x38: {  	s0 =	sor.u32 s3, s0;
	s1 =	sshll.u32 s1, $0x11  }
0x39: {  	s0 =	sor.u32 s1, s0  }
0x3a: {  	s0 =	sadd.s32 $0x8F2B, s0  }
0x3b: {  	[sflag:s0] =	ssyncadd.remote.s32 $0x1  }
0x3c: {  	_ =	sfence.sel $0xFFFF  }
0x3d: {  	[dreg:$0x0] =	wrdreg $0xFFFFFFFF;
	(pc) =	sbr.abs _section_cstart, $3  }
0x3e: {  	[dreg:$0x1] =	wrdreg $0xFFFFFFFF  }
0x3f: {  	_ =	task.clear_ibuf [dreg:s7], $0x2FFFF;
	_ =	strace $0x9FFFFFFF  }
0x40: {  	(tm) =	ssettm $0x7FFFFFFF  }
0x41: {  	_ =	shalt  }
tec
execute0_lowered:
.L_overlay_start_1:
0x0: {  	(tag) =	ssettag $0x1  }
0x1: {  	s0 =	stileid.u32;
	s1 =	srdreg.scid  }
0x2: {  	s2 =	sshll.u32 s0, $0x6;
	s1 =	sshll.u32 s1, $0xA  }
0x3: {  	s1 =	sor.u32 s2, s1  }
0x4: {  	s7 =	rddreg [dreg:$0x0];
	s1 =	sand.u32 $0x780, s1  }
0x5: {  	s8 =	simm.s32 $0x2;
	s2 =	sand.u32 $0x1, s0;
	s3 =	ssub.s32 $0x4000, s1  }
0x6: {  	s14 =	simm.s32 $0x0;
	s4 =	ssub.s32 $0x2, s2;
	s5 =	sand.u32 $0x780, s3  }
0x7: {  	s6 =	sshrl.u32 s4, $0x1;
	p0 =	sne.s32 s5, $0x0;
	s5 =	simm.s32 $0x1  }
0x8: {  	s4 =	sand.u32 $0x1, s4;
	s3 =	sshrl.u32 s3, $0xB;
	s5 =	simm.s32 @!p0 $0x0  }
0x9: {  	s9 =	simm.s32 $0x600;
	s6 =	sadd.s32 s4, s6;
	s3 =	sadd.s32 s5, s3  }
0xa: {  	s16 =	simm.s32 $0x0;
	s15 =	simm.s32 $0x0;
	s6 =	smul.u32 s3, s6  }
.Ltmp0:
0xb: {  	s12 =	simm.s32 $0x0;
	s13 =	simm.s32 $0x0;
	(pc) =	sbr.rel .LBB1_1-.Ltmp0, $4  }
0xc: {  	s7 =	sadd.s32 $0x341C00, s7;
	s4 =	rddreg [dreg:$0x1];
	s5 =	simm.s32 $0x1  }
0xd: {  	s3 =	rddreg [dreg:$0x2];
	_ =	strace $0x8000004A;
	s6 =	smul.u32 $0x6, s6  }
0xe: {  	s11 =	smov.u32 s2;
	s10 =	smov.u32 s1;
	[sflag:s5] =	ssyncpa.u1 $0x0  }
0xf: {  	p0 =	por $0x0, $0x0;
	[sflag:s8] =	ssyncpa.u1 $0x0;
	s8 =	sor.u32 $0x1, s6  }
.LBB1_4:
0x10: {  	s22 =	sshrl.u32 s16, $0x1  }
0x11: {  	s23 =	sshll.u32 s15, $0x1;
	s24 =	sshll.u32 s16, $0x7;
	s22 =	smul.u32 $0x600, s22  }
0x12: {  	v5 =	vld [tilespmem:s20+$0xFFFFFFD0];
	[tilespmem:s19+$0x2040 ss:$0x81] =	vst.msk $0xffff, v4;
	s25 =	sand.u32 $0x7F, s15;
	s23 =	sand.u32 $0xFFFFFF00, s23;
	s16 =	sand.u32 $0x80, s24  }
0x13: {  	v58 =	vld [tilespmem:s20+$0xFFFFFFE0];
	[tilespmem:s19+$0x2850 ss:$0x81] =	vst.msk $0xffff, v2;
	s15 =	sor.u32 s25, s16;
	s22 =	sadd.s32 s23, s22  }
0x14: {  	s26 =	sshra.s32 s21, $0x2;
	v59 =	vld [tilespmem:s20+$0xFFFFFFF0];
	[tilespmem:s19+$0x3060 ss:$0x81] =	vst.msk $0xffff, v3;
	s15 =	sor.u32 s22, s15  }
0x15: {  	v60 =	vld [tilespmem:s20+$0x0];
	[tilespmem:s19+$0x0 ss:$0x81] =	vst.msk $0xffff, v0;
	s16 =	sadd.s32 s26, s18;
	s27 =	smulhi.u32 $0xAAAAAAAB, s15  }
0x16: {  	v61 =	vld [tilespmem:s20+$0x10];
	[tilespmem:s16+$0x3870 ss:$0x81] =	vst.msk $0xffff, v1;
	s28 =	smulhi.u32 $0xAAAAAAAB, s22  }
0x17: {  	v62 =	vld [tilespmem:s20+$0x20];
	[tilespmem:s16+$0x810 ss:$0x81] =	vst.msk $0xffff, v5;
	s18 =	sshrl.u32 s27, $0x9  }
0x18: {  	v63 =	vld [tilespmem:s20+$0xFFFFFFC0];
	[tilespmem:s16+$0x1020 ss:$0x81] =	vst.msk $0xffff, v58;
	s19 =	sshrl.u32 s28, $0x9;
	s18 =	smul.u32 $0x300, s18  }
0x19: {  	s14 =	smul.u32 $0xC0, s14;
	[tilespmem:s16+$0x1830 ss:$0x81] =	vst.msk $0xffff, v59;
	s19 =	sand.u32 $0x1, s19  }
0x1a: {  	[tilespmem:s16+$0x2040 ss:$0x81] =	vst.msk $0xffff, v60;
	p1 =	seq.s32 s19, $0x1;
	s15 =	ssub.s32 s15, s18;
	s18 =	simm.s32 $0x60  }
0x1b: {  	s14 =	sadd.s32 s4, s14;
	[tilespmem:s16+$0x2850 ss:$0x81] =	vst.msk $0xffff, v61;
	s18 =	simm.s32 @!p1 $0x0;
	s29 =	sand.u32 $0x7, s15  }
0x1c: {  	[tilespmem:s16+$0x3060 ss:$0x81] =	vst.msk $0xffff, v62;
	s15 =	sshrl.u32 s15, $0x3;
	s14 =	sadd.s32 s18, s14;
	s30 =	sshll.u32 s29, $0x12  }
0x1d: {  	[tilespmem:s16+$0x0 ss:$0x81] =	vst.msk $0xffff, v63;
	s14 =	sadd.s32 s15, s14;
	s31 =	sor.u32 $0x80, s30  }
0x1e: {  	[hbm4b:s14+s31] =	stream.strided.scatter [tilespmem:s17], [sflag:$0x2], $0x4000, s9, s31, $0x20;
	[tilespmem:$0x10100] =	vst v63  }
.LBB1_5:
0x1f: {  	s17 =	sadd.s32 $0x800, s10  }
0x20: {  	s14 =	sadd.s32 $0x2, s11;
	s18 =	smov.u32 s11;
	p2 =	sgt.s32 s17, $0x3FFF  }
0x21: {  	s18 =	smov.u32 @p2 s14  }
0x22: {  	s20 =	smov.u32 s12;
	s14 =	sadd.s32 $0x80, s12;
	p3 =	sgt.s32 s18, $0x1  }
0x23: {  	s20 =	smov.u32 @p3 s14  }
0x24: {  	s17 =	smov.u32 @p2 s1;
	p2 =	sgt.s32 s20, $0x2FF  }
0x25: {  	p1 =	slt.u32 s13, $0x2;
	s20 =	simm.s32 @p2 $0x0;
	p2 =	sne.s32 s13, s8  }
.Ltmp1:
0x26: {  	s19 =	simm.s32 @!p1 $0x2;
	(pc) =	sbr.rel @!p2 .LBB1_6-.Ltmp1, $4  }
0x27: {  	s16 =	smov.u32 s11;
	s15 =	smov.u32 s12;
	_ =	swait.ge @!p1 [sflag:s19], $0x4000  }
0x28: {  	p0 =	por !p0, !p0;
	[sflag:s19] =	ssyncset.done @!p1 $0x0;
	s18 =	smov.u32 @p3 s2  }
0x29: {  	s14 =	smov.u32 s10;
	[sflag:s19] =	ssyncadd.s32 @!p1 $0xFFFFC000;
	s10 =	smov.u32 s17  }
0x2a: {  	s11 =	smov.u32 s18;
	s13 =	sadd.s32 $0x1, s13;
	s12 =	smov.u32 s20  }
.LBB1_1:
0x2b: {  	p1 =	sge.u32 s13, s6  }
0x2c: {  	s17 =	sshll.u32 @!p1 s11, $0x7  }
0x2d: {  	s18 =	sand.u32 @!p1 $0x78, s10;
	s19 =	sshll.u32 @!p1 s10, $0x1;
	s17 =	sand.u32 @!p1 $0x80, s17  }
0x2e: {  	s31 =	sadd.s32 $0xFFFFFFFF, s13;
	s19 =	sand.u32 @!p1 $0x3F00, s19;
	s17 =	sor.u32 @!p1 s17, s18  }
0x2f: {  	s18 =	sshll.u32 @!p1 s12, $0xC;
	s17 =	sor.u32 @!p1 s19, s17;
	s19 =	sshrl.u32 @!p1 s10, $0x2  }
0x30: {  	s20 =	sxor.u32 @!p1 $0xFFFFFFFF, s13;
	s18 =	sadd.s32 @!p1 s7, s18;
	s19 =	sand.u32 @!p1 $0x800, s19  }
0x31: {  	s20 =	sshll.u32 @!p1 s20, $0xE;
	s18 =	sadd.s32 @!p1 s19, s18;
	s19 =	sand.u32 @!p1 $0x7, s10  }
0x32: {  	s20 =	sand.u32 @!p1 $0x4000, s20;
	s17 =	sshrl.u32 @!p1 s17, $0x3;
	s19 =	sshll.u32 @!p1 s19, $0x12  }
0x33: {  	s17 =	sadd.s32 @!p1 s17, s18;
	s18 =	sor.u32 @!p1 $0x80, s19;
	s19 =	simm.s32 @!p1 $0x8000  }
0x34: {  	[tilespmem:s20], [sflag:$0x1] =	stream.strided.gather @!p1 [hbm4b:s17+s18], $0x4000, s19, s18, $0x38;
	[tilespmem:$0x10100] =	vst v63  }
0x35: {  	p1 =	sge.u32 s31, s6  }
.Ltmp2:
0x36: {  	_ = 	snop;
	(pc) =	sbr.rel @p1 .LBB1_5-.Ltmp2, $1  }
0x37: {  	_ =	sdelay $0x3  }
0x38: {  	s17 =	simm.s32 $0x1  }
0x39: {  	_ =	swait.ge [sflag:s5], $0x4000;
	s17 =	simm.s32 @!p0 $0x0  }
0x3a: {  	[sflag:s5] =	ssyncset.done $0x0;
	s18 =	sshll.u32 s17, $0xE  }
0x3b: {  	[sflag:s5] =	ssyncadd.s32 $0xFFFFC000;
	s20 =	sor.u32 $0x40, s18  }
0x3c: {  	s17 =	smul.u32 $0x10200, s17;
	v0 =	vld [tilespmem:s20+$0x30]  }
0x3d: {  	v1 =	vld [tilespmem:s20+$0xFFFFFFD0]  }
0x3e: {  	s17 =	sshrl.u32 s17, $0x2;
	v5 =	vld [tilespmem:s20+$0xFFFFFFE0]  }
0x3f: {  	v6 =	vld [tilespmem:s20+$0xFFFFFFF0];
	s18 =	sor.u32 $0x8000, s17  }
0x40: {  	s31 =	sand.u32 $0x1, s13;
	v4 =	vld [tilespmem:s20+$0x0];
	s19 =	sadd.s32 $0x0, s18  }
0x41: {  	v2 =	vld [tilespmem:s20+$0x10];
	s17 =	smul.u32 $0x10200, s31;
	[tilespmem:s19+$0x3870 ss:$0x81] =	vst.msk $0xffff, v0  }
0x42: {  	v3 =	vld [tilespmem:s20+$0x20];
	[tilespmem:s19+$0x810 ss:$0x81] =	vst.msk $0xffff, v1  }
0x43: {  	s17 =	sshrl.u32 s17, $0x2;
	v0 =	vld [tilespmem:s20+$0xFFFFFFC0];
	[tilespmem:s19+$0x1020 ss:$0x81] =	vst.msk $0xffff, v5;
	s20 =	sadd.s32 $0x80, s20  }
0x44: {  	s21 =	simm.s32 $0x4;
	s22 =	simm.s32 $0x8;
	s17 =	sor.u32 $0x8000, s17;
	[tilespmem:s19+$0x1830 ss:$0x81] =	vst.msk $0xffff, v6;
	v1 =	vld [tilespmem:s20+$0x30]  }
.LBB1_3:
0x45: {  	p1 =	sne.s32 s22, $0x1FC;
	v5 =	vld [tilespmem:s20+$0xFFFFFFD0];
	[tilespmem:s19+$0x2040 ss:$0x81] =	vst.msk $0xffff, v4  }
0x46: {  	v6 =	vld [tilespmem:s20+$0xFFFFFFE0];
	[tilespmem:s19+$0x2850 ss:$0x81] =	vst.msk $0xffff, v2  }
0x47: {  	s23 =	sshra.s32 s21, $0x2;
	s21 =	smov.u32 s22;
	v7 =	vld [tilespmem:s20+$0xFFFFFFF0];
	[tilespmem:s19+$0x3060 ss:$0x81] =	vst.msk $0xffff, v3  }
.Ltmp3:
0x48: {  	v4 =	vld [tilespmem:s20+$0x0];
	[tilespmem:s19+$0x0 ss:$0x81] =	vst.msk $0xffff, v0;
	s19 =	sadd.s32 s23, s18;
	(pc) =	sbr.rel @p1 .LBB1_3-.Ltmp3, $4  }
0x49: {  	v2 =	vld [tilespmem:s20+$0x10];
	[tilespmem:s19+$0x3870 ss:$0x81] =	vst.msk $0xffff, v1  }
0x4a: {  	[tilespmem:s19+$0x810 ss:$0x81] =	vst.msk $0xffff, v5;
	v3 =	vld [tilespmem:s20+$0x20]  }
0x4b: {  	v0 =	vld [tilespmem:s20+$0xFFFFFFC0];
	[tilespmem:s19+$0x1020 ss:$0x81] =	vst.msk $0xffff, v6;
	s20 =	sadd.s32 $0x80, s20  }
0x4c: {  	s22 =	sadd.s32 $0x4, s22;
	v1 =	vld [tilespmem:s20+$0x30];
	[tilespmem:s19+$0x1830 ss:$0x81] =	vst.msk $0xffff, v7  }
.Ltmp4:
0x4d: {  	_ = 	snop;
	(pc) =	sbr.rel .LBB1_4-.Ltmp4, $1  }
0x4e: {  	_ =	sdelay $0x3  }
.LBB1_6:
0x4f: {  	_ =	sfence.sel $0x180000  }
0x50: {  	s1 =	simm.s32 $0x1;
	[bflag:$0x0] =	sbarrier.arrive $0xFFFF  }
0x51: {  	s31 =	simm.s32 $0x2;
	[sflag:s1] =	ssyncpa.u1 $0x1  }
0x52: {  	[sflag:s31] =	ssyncpa.u1 $0x1  }
0x53: {  	p0 =	sne.s32 s0, $0x0;
	_ =	strace $0x9000004A  }
0x54: {  	s0 =	sadd.s32 @!p0 $0x100000, s3;
	[bflag:$0x2] =	sbarrier.arrive $0xFFFF  }
0x55: {  	[sflag:s0] =	ssyncadd.tile.s32 @!p0 $0x1;
	_ =	shalt  }
.Lfunc_end1:
_tile_overlayer_lowered:
.L_overlay_start_2:
0x56: {  	(tag) =	ssettag $0x2  }
0x57: {  	s0 =	rddreg [dreg:$0x0];
	s2 =	stileid.u32  }
0x58: {  	s1 =	rddreg [dreg:$0x1];
	p0 =	sne.s32 s2, $0x0  }
0x59: {  	s3 =	rddreg [dreg:$0x2];
	[bflag:$0x3] =	sbarrier.arrive $0xFFFF;
	s2 =	simm.s32 @!p0 $0x1C01  }
0x5a: {  	[timem:s3], [sflag:s2] =	dma.local @!p0 [hbm:s0], s1  }
0x5b: {  	s0 =	simm.s32 @!p0 $0x1  }
0x5c: {  	_ =	swait.ge @!p0 [sflag:s0], s1  }
0x5d: {  	s1 =	ssub.s32 @!p0 $0x0, s1;
	[sflag:s0] =	ssyncset.done @!p0 $0x0  }
0x5e: {  	[sflag:s0] =	ssyncadd.s32 @!p0 s1  }
0x5f: {  	[bflag:$0x3] =	sbarrier.arrive $0xFFFF  }
0x60: {  	_ =	shalt  }

</sc_bundles>
